<compile_context>
chip_gen: v7x
topology: tpu7x:2x2x1
jax: 0.10.2.dev20260603
libtpu: 0.0.44.dev20260713+nightly
codegen_flags: <defaults>
</compile_context>

<pallas_src>
import functools

import jax
import jax.numpy as jnp
from jax import lax
from jax.experimental import pallas as pl
from jax.experimental.pallas import tpu as pltpu
from jax.experimental.pallas import tpu_sc as plsc

N = 10000
NP = 10240
E = 320000
D = 128

NC = 2
NS = 16
K = 80
CHD = E // (NS * K)
CHP = 126
EP = NC * NS * CHP * K
ROWS = NP // NS

_MESH = plsc.VectorSubcoreMesh(core_axis_name="c", subcore_axis_name="s")


@functools.partial(
    pl.kernel,
    out_type=jax.ShapeDtypeStruct((2, NP, 8), jnp.float32),
    mesh=_MESH,
    scratch_types=[
        pltpu.VMEM((CHD, K), jnp.int32),
        pltpu.VMEM((K, 8), jnp.float32),
        pltpu.VMEM_SHARED((NP, 8), jnp.float32),
    ],
    compiler_params=pltpu.CompilerParams(use_tc_tiling_on_sc=False),
)
def _deg_kernel(ei_hbm, ones_hbm, zeros_hbm, out_hbm, idx_v, ones_v, count_sh):
    c = lax.axis_index("c")
    s = lax.axis_index("s")
    r0 = s * ROWS
    pltpu.sync_copy(ei_hbm.at[c, s], idx_v)
    pltpu.sync_copy(ones_hbm, ones_v)
    pltpu.sync_copy(zeros_hbm, count_sh.at[pl.ds(r0, ROWS)])
    plsc.subcore_barrier()

    def body(j, carry):
        pltpu.sync_copy(ones_v, count_sh.at[idx_v.at[j]], add=True)
        return carry

    lax.fori_loop(0, CHD, body, 0)
    plsc.subcore_barrier()
    pltpu.sync_copy(count_sh.at[pl.ds(r0, ROWS)], out_hbm.at[c, pl.ds(r0, ROWS)])


@functools.partial(
    pl.kernel,
    out_type=jax.ShapeDtypeStruct((2, NP, D), jnp.bfloat16),
    mesh=_MESH,
    scratch_types=[
        pltpu.VMEM((CHP, K), jnp.int32),
        pltpu.VMEM((CHP, K), jnp.int32),
        pltpu.VMEM((K, D), jnp.bfloat16),
        pltpu.VMEM((K, D), jnp.bfloat16),
        pltpu.VMEM_SHARED((NP, D), jnp.bfloat16),
        pltpu.SemaphoreType.DMA,
        pltpu.SemaphoreType.DMA,
        pltpu.SemaphoreType.DMA,
        pltpu.SemaphoreType.DMA,
    ],
    compiler_params=pltpu.CompilerParams(use_tc_tiling_on_sc=False),
)
def _prop_kernel(t_hbm, ei_hbm, zeros_hbm, out_hbm,
                 src_v, dst_v, rows0, rows1, agg_sh,
                 gsem0, gsem1, ssem0, ssem1):
    c = lax.axis_index("c")
    s = lax.axis_index("s")
    r0 = s * ROWS
    pltpu.sync_copy(ei_hbm.at[0, c, s], src_v)
    pltpu.sync_copy(ei_hbm.at[1, c, s], dst_v)
    pltpu.sync_copy(zeros_hbm, agg_sh.at[pl.ds(r0, ROWS)])
    plsc.subcore_barrier()

    rows = (rows0, rows1)
    gsem = (gsem0, gsem1)
    ssem = (ssem0, ssem1)

    def gather(j, b):
        pltpu.async_copy(t_hbm.at[src_v.at[j]], rows[b], gsem[b])

    def scatter(j, b):
        pltpu.async_copy(rows[b], agg_sh.at[dst_v.at[j]], ssem[b], add=True)

    def wait_gather(b):
        pltpu.make_async_copy(t_hbm.at[src_v.at[0]], rows[b], gsem[b]).wait()

    def wait_scatter(b):
        pltpu.make_async_copy(rows[b], agg_sh.at[dst_v.at[0]], ssem[b]).wait()

    gather(0, 0)

    @pl.loop(0, CHP, step=2)
    def _(j0):
        wait_gather(0)
        scatter(j0, 0)

        @pl.when(j0 > 0)
        def _():
            wait_scatter(1)

        gather(j0 + 1, 1)
        wait_gather(1)
        scatter(j0 + 1, 1)
        wait_scatter(0)

        @pl.when(j0 + 2 < CHP)
        def _():
            gather(j0 + 2, 0)

    wait_scatter(1)
    plsc.subcore_barrier()
    pltpu.sync_copy(agg_sh.at[pl.ds(r0, ROWS)], out_hbm.at[c, pl.ds(r0, ROWS)])


def _norm(deg):
    return jnp.where(deg > 0.0, lax.rsqrt(jnp.maximum(deg, 1.0)), 0.0)


def _join(q_ref):
    return q_ref[0].astype(jnp.float32) + q_ref[1].astype(jnp.float32)


def _tc_first_body(feat_ref, odeg_ref, w_ref, out_ref):
    nsrc = _norm(odeg_ref[...])
    p = jnp.dot(feat_ref[...] * nsrc, w_ref[...],
                preferred_element_type=jnp.float32)
    out_ref[...] = p.astype(jnp.bfloat16)


def _tc_mid_body(q_ref, ideg_ref, odeg_ref, b_ref, w_ref, out_ref):
    ndst = _norm(ideg_ref[...])
    nsrc = _norm(odeg_ref[...])
    x = jnp.maximum(_join(q_ref) * ndst + b_ref[...], 0.0)
    p = jnp.dot(x * nsrc, w_ref[...], preferred_element_type=jnp.float32)
    out_ref[...] = p.astype(jnp.bfloat16)


def _tc_last_body(q_ref, ideg_ref, b_ref, out_ref):
    ndst = _norm(ideg_ref[...])
    z = _join(q_ref) * ndst + b_ref[...]
    m = jnp.max(z, axis=1, keepdims=True)
    lse = jnp.log(jnp.sum(jnp.exp(z - m), axis=1, keepdims=True)) + m
    out_ref[...] = z - lse


_T_ND = jax.ShapeDtypeStruct((NP, D), jnp.bfloat16)
_tc_first = pl.pallas_call(_tc_first_body, out_shape=_T_ND)
_tc_mid = pl.pallas_call(_tc_mid_body, out_shape=_T_ND)
_tc_last = pl.pallas_call(_tc_last_body,
                          out_shape=jax.ShapeDtypeStruct((NP, D), jnp.float32))


def kernel(features, edge_index, W1, b1, W2, b2, W3, b3):
    ei3 = edge_index.reshape(2, NS, CHD, K)
    padrow = (N + jnp.arange(EP - E, dtype=jnp.int32) % (NP - N))
    eip = jnp.concatenate(
        [edge_index, jnp.stack([padrow, padrow])], axis=1)
    ei4 = eip.reshape(2, NC, NS, CHP, K)

    ones8 = jnp.zeros((K, 8), jnp.float32).at[:, 0].set(1.0)
    zdeg = jnp.zeros((ROWS, 8), jnp.float32)
    zprop = jnp.zeros((ROWS, D), jnp.bfloat16)
    featp = jnp.pad(features, ((0, NP - N), (0, 0)))

    degs = _deg_kernel(ei3, ones8, zdeg)
    odeg = degs[0, :, 0:1]
    ideg = degs[1, :, 0:1]

    b1r = b1.reshape(1, D)
    b2r = b2.reshape(1, D)
    b3r = b3.reshape(1, D)

    p = _tc_first(featp, odeg, W1)
    q = _prop_kernel(p, ei4, zprop)
    p = _tc_mid(q, ideg, odeg, b1r, W2)
    q = _prop_kernel(p, ei4, zprop)
    p = _tc_mid(q, ideg, odeg, b2r, W3)
    q = _prop_kernel(p, ei4, zprop)
    return _tc_last(q, ideg, b3r)[:N]

# --- scband reference (transcript-rebuilt; emitter-appended) ---
"""Pipeline reference for scband-dgl-net-31181462569288 (READ-ONLY COPY).

The authoritative reference and input builder live on the scoring server;
editing this copy changes nothing except your own understanding.
"""

import jax, jax.numpy as jnp
import numpy as np

N = 10000
E = 320000
D_IN = 128
D_HID = 128
D_OUT = 128


def setup_inputs(seed: int = 0) -> dict:
    key = jax.random.key(seed)
    ks = jax.random.split(key, 8)
    features = jax.random.normal(ks[0], (N, D_IN), dtype=jnp.float32)
    edge_index = jax.random.randint(ks[1], (2, E), 0, N, dtype=jnp.int64 if jax.config.jax_enable_x64 else jnp.int32).astype(jnp.int32)
    W1 = jax.random.normal(ks[2], (D_IN, D_HID), dtype=jnp.float32) * (1.0 / np.sqrt(D_IN))
    b1 = jnp.zeros((D_HID,), dtype=jnp.float32)
    W2 = jax.random.normal(ks[3], (D_HID, D_HID), dtype=jnp.float32) * (1.0 / np.sqrt(D_HID))
    b2 = jnp.zeros((D_HID,), dtype=jnp.float32)
    W3 = jax.random.normal(ks[4], (D_HID, D_OUT), dtype=jnp.float32) * (1.0 / np.sqrt(D_HID))
    b3 = jnp.zeros((D_OUT,), dtype=jnp.float32)
    return {"features": features, "edge_index": edge_index,
            "W1": W1, "b1": b1, "W2": W2, "b2": b2, "W3": W3, "b3": b3}


def _graph_conv(x, src, dst, norm_src, norm_dst, W, b):
    # DGL GraphConv with norm='both': D_dst^{-1/2} A D_src^{-1/2} X W + b
    h = x * norm_src[:, None]
    msg = jnp.take(h, src, axis=0)
    agg = jnp.zeros((x.shape[0], x.shape[1]), dtype=x.dtype).at[dst].add(msg)
    agg = agg * norm_dst[:, None]
    return agg @ W + b


def reference(features, edge_index, W1, b1, W2, b2, W3, b3):
    src = edge_index[0]
    dst = edge_index[1]
    n = features.shape[0]
    out_deg = jnp.bincount(src, length=n).astype(jnp.float32)
    in_deg = jnp.bincount(dst, length=n).astype(jnp.float32)
    norm_src = jnp.where(out_deg > 0, jax.lax.rsqrt(jnp.maximum(out_deg, 1.0)), 0.0)
    norm_dst = jnp.where(in_deg > 0, jax.lax.rsqrt(jnp.maximum(in_deg, 1.0)), 0.0)
    x1 = jax.nn.relu(_graph_conv(features, src, dst, norm_src, norm_dst, W1, b1))
    x2 = jax.nn.relu(_graph_conv(x1, src, dst, norm_src, norm_dst, W2, b2))
    x3 = _graph_conv(x2, src, dst, norm_src, norm_dst, W3, b3)
    return jax.nn.log_softmax(x3, axis=1)

if __name__ == "__main__":
    import jax
    _d = setup_inputs()
    print(jax.jit(kernel)(*tuple(_d.values())))

</pallas_src>

<mosaic_0001>
#map = affine_map<(d0, d1) -> (0, 0, 0, 0)>
#map1 = affine_map<(d0, d1) -> (0, 0)>
#map2 = affine_map<(d0, d1) -> (0, 0, 0)>
module attributes {stable_mosaic.version = 14 : i64} {
  func.func @_deg_kernel(%arg0: i32, %arg1: i32, %arg2: memref<2x16x250x80xi32, #tpu.memory_space<hbm>>, %arg3: memref<80x8xf32, #tpu.memory_space<hbm>>, %arg4: memref<640x8xf32, #tpu.memory_space<hbm>>, %arg5: memref<2x10240x8xf32, #tpu.memory_space<hbm>>, %arg6: memref<250x80xi32, #tpu.memory_space<vmem>>, %arg7: memref<80x8xf32, #tpu.memory_space<vmem>>, %arg8: memref<10240x8xf32, #tpu.memory_space<vmem_shared>>) attributes {dimension_semantics = [#tpu.dimension_semantics<core_parallel>, #tpu.dimension_semantics<subcore_parallel>], iteration_bounds = array<i64: 2, 16>, scalar_prefetch = 0 : i64, scratch_operands = 3 : i64, tpu.core_type = #tpu.core_type<sc_vector_subcore>, window_params = [{transform_indices = #map}, {transform_indices = #map1}, {transform_indices = #map1}, {transform_indices = #map2}]} {
    %mul3A = arith.constant 640 : i32
    %mul3A_0 = arith.muli %arg1, %mul3A : i32
    "tpu.region"() ({
      %run_scoped3A = tpu.sem_alloc : memref<!tpu.dma_semaphore, #tpu.memory_space<semaphore_mem>>
      %dma_start3A = arith.constant 0 : i32
      %dma_start3A_7 = arith.constant 0 : i32
      %dma_start3A_8 = tpu.memref_slice %arg2[%arg0, %arg1, %dma_start3A, %dma_start3A_7] : memref<2x16x250x80xi32, #tpu.memory_space<hbm>> -> memref<1x1x250x80xi32, #tpu.memory_space<hbm>>
      %dma_start3A_9 = tpu.memref_squeeze %dma_start3A_8 : memref<1x1x250x80xi32, #tpu.memory_space<hbm>> -> memref<250x80xi32, #tpu.memory_space<hbm>>
      %dma_start3A_10 = arith.constant 0 : i32
      %dma_start3A_11 = arith.constant 0 : i32
      %dma_start3A_12 = tpu.memref_slice %arg2[%arg0, %arg1, %dma_start3A_10, %dma_start3A_11] : memref<2x16x250x80xi32, #tpu.memory_space<hbm>> -> memref<1x1x250x80xi32, #tpu.memory_space<hbm>>
      %dma_start3A_13 = tpu.memref_squeeze %dma_start3A_12 : memref<1x1x250x80xi32, #tpu.memory_space<hbm>> -> memref<250x80xi32, #tpu.memory_space<hbm>>
      tpu.enqueue_dma source(%dma_start3A_13 : memref<250x80xi32, #tpu.memory_space<hbm>>) target(%arg6 : memref<250x80xi32, #tpu.memory_space<vmem>>) target_semaphore(%run_scoped3A : memref<!tpu.dma_semaphore, #tpu.memory_space<semaphore_mem>>)
      %dma_wait3A = arith.constant 0 : i32
      %dma_wait3A_14 = arith.constant 0 : i32
      %dma_wait3A_15 = tpu.memref_slice %arg2[%arg0, %arg1, %dma_wait3A, %dma_wait3A_14] : memref<2x16x250x80xi32, #tpu.memory_space<hbm>> -> memref<1x1x250x80xi32, #tpu.memory_space<hbm>>
      %dma_wait3A_16 = tpu.memref_squeeze %dma_wait3A_15 : memref<1x1x250x80xi32, #tpu.memory_space<hbm>> -> memref<250x80xi32, #tpu.memory_space<hbm>>
      %dma_wait3A_17 = arith.constant 0 : i32
      %dma_wait3A_18 = arith.constant 0 : i32
      %dma_wait3A_19 = tpu.memref_slice %arg2[%arg0, %arg1, %dma_wait3A_17, %dma_wait3A_18] : memref<2x16x250x80xi32, #tpu.memory_space<hbm>> -> memref<1x1x250x80xi32, #tpu.memory_space<hbm>>
      %dma_wait3A_20 = tpu.memref_squeeze %dma_wait3A_19 : memref<1x1x250x80xi32, #tpu.memory_space<hbm>> -> memref<250x80xi32, #tpu.memory_space<hbm>>
      tpu.wait_dma2 semaphore(%run_scoped3A : memref<!tpu.dma_semaphore, #tpu.memory_space<semaphore_mem>>) src(%dma_wait3A_20 : memref<250x80xi32, #tpu.memory_space<hbm>>) dst(%arg6 : memref<250x80xi32, #tpu.memory_space<vmem>>)
      tpu.yield
    }) : () -> ()
    "tpu.region"() ({
      %run_scoped3A = tpu.sem_alloc : memref<!tpu.dma_semaphore, #tpu.memory_space<semaphore_mem>>
      tpu.enqueue_dma source(%arg3 : memref<80x8xf32, #tpu.memory_space<hbm>>) target(%arg7 : memref<80x8xf32, #tpu.memory_space<vmem>>) target_semaphore(%run_scoped3A : memref<!tpu.dma_semaphore, #tpu.memory_space<semaphore_mem>>)
      tpu.wait_dma2 semaphore(%run_scoped3A : memref<!tpu.dma_semaphore, #tpu.memory_space<semaphore_mem>>) src(%arg3 : memref<80x8xf32, #tpu.memory_space<hbm>>) dst(%arg7 : memref<80x8xf32, #tpu.memory_space<vmem>>)
      tpu.yield
    }) : () -> ()
    "tpu.region"() ({
      %run_scoped3A = tpu.sem_alloc : memref<!tpu.dma_semaphore, #tpu.memory_space<semaphore_mem>>
      %dma_start3A = arith.constant 0 : i32
      %dma_start3A_7 = tpu.memref_slice %arg8[%mul3A_0, %dma_start3A] : memref<10240x8xf32, #tpu.memory_space<vmem_shared>> -> memref<640x8xf32, #tpu.memory_space<vmem_shared>>
      tpu.enqueue_dma source(%arg4 : memref<640x8xf32, #tpu.memory_space<hbm>>) target(%dma_start3A_7 : memref<640x8xf32, #tpu.memory_space<vmem_shared>>) target_semaphore(%run_scoped3A : memref<!tpu.dma_semaphore, #tpu.memory_space<semaphore_mem>>)
      %dma_wait3A = arith.constant 0 : i32
      %dma_wait3A_8 = tpu.memref_slice %arg8[%mul3A_0, %dma_wait3A] : memref<10240x8xf32, #tpu.memory_space<vmem_shared>> -> memref<640x8xf32, #tpu.memory_space<vmem_shared>>
      tpu.wait_dma2 semaphore(%run_scoped3A : memref<!tpu.dma_semaphore, #tpu.memory_space<semaphore_mem>>) src(%arg4 : memref<640x8xf32, #tpu.memory_space<hbm>>) dst(%dma_wait3A_8 : memref<640x8xf32, #tpu.memory_space<vmem_shared>>)
      tpu.yield
    }) : () -> ()
    %barrier3A = arith.constant 0 : index
    tpu.barrier barrier_id(%barrier3A)
    %scan3A = arith.constant 0 : i32
    %scan3A_1 = arith.constant 0 : i32
    %scan3A_2 = arith.constant 250 : i32
    %scan3A_3 = arith.addi %scan3A_1, %scan3A_2 : i32
    %scan3A_4 = arith.constant 1 : i32
    scf.for %scan3A_7 = %scan3A_1 to %scan3A_3 step %scan3A_4  : i32 {
      "tpu.region"() ({
        %run_scoped3A = tpu.sem_alloc : memref<!tpu.dma_semaphore, #tpu.memory_space<semaphore_mem>>
        %dma_start3A = arith.constant 0 : i32
        %dma_start3A_8 = tpu.memref_slice %arg6[%scan3A_7, %dma_start3A] : memref<250x80xi32, #tpu.memory_space<vmem>> -> memref<1x80xi32, #tpu.memory_space<vmem>>
        %dma_start3A_9 = tpu.memref_squeeze %dma_start3A_8 : memref<1x80xi32, #tpu.memory_space<vmem>> -> memref<80xi32, #tpu.memory_space<vmem>>
        %dma_start3A_10 = arith.constant 0 : i32
        %dma_start3A_11 = arith.constant 0 : i32
        %dma_start3A_12 = tpu.memref_slice %arg8[%dma_start3A_10, %dma_start3A_11] : memref<10240x8xf32, #tpu.memory_space<vmem_shared>> -> memref<10240x8xf32, #tpu.memory_space<vmem_shared>>
        tpu.enqueue_indirect_dma source(%arg7 : memref<80x8xf32, #tpu.memory_space<vmem>>) target(%dma_start3A_12 : memref<10240x8xf32, #tpu.memory_space<vmem_shared>>) offsets(%dma_start3A_9 : memref<80xi32, #tpu.memory_space<vmem>>) semaphore(%run_scoped3A : memref<!tpu.dma_semaphore, #tpu.memory_space<semaphore_mem>>) {add = true}
        %dma_wait3A = arith.constant 0 : i32
        %dma_wait3A_13 = tpu.memref_slice %arg6[%scan3A_7, %dma_wait3A] : memref<250x80xi32, #tpu.memory_space<vmem>> -> memref<1x80xi32, #tpu.memory_space<vmem>>
        %dma_wait3A_14 = tpu.memref_squeeze %dma_wait3A_13 : memref<1x80xi32, #tpu.memory_space<vmem>> -> memref<80xi32, #tpu.memory_space<vmem>>
        %dma_wait3A_15 = arith.constant 0 : i32
        %dma_wait3A_16 = arith.constant 0 : i32
        %dma_wait3A_17 = tpu.memref_slice %arg8[%dma_wait3A_15, %dma_wait3A_16] : memref<10240x8xf32, #tpu.memory_space<vmem_shared>> -> memref<10240x8xf32, #tpu.memory_space<vmem_shared>>
        tpu.wait_indirect_dma semaphore(%run_scoped3A : memref<!tpu.dma_semaphore, #tpu.memory_space<semaphore_mem>>) src(%arg7 : memref<80x8xf32, #tpu.memory_space<vmem>>) dst(%dma_wait3A_17 : memref<10240x8xf32, #tpu.memory_space<vmem_shared>>)
        tpu.yield
      }) : () -> ()
    }
    %scan3A_5 = arith.constant 250 : i32
    %barrier3A_6 = arith.constant 0 : index
    tpu.barrier barrier_id(%barrier3A_6)
    "tpu.region"() ({
      %run_scoped3A = tpu.sem_alloc : memref<!tpu.dma_semaphore, #tpu.memory_space<semaphore_mem>>
      %dma_start3A = arith.constant 0 : i32
      %dma_start3A_7 = tpu.memref_slice %arg5[%arg0, %mul3A_0, %dma_start3A] : memref<2x10240x8xf32, #tpu.memory_space<hbm>> -> memref<1x640x8xf32, #tpu.memory_space<hbm>>
      %dma_start3A_8 = tpu.memref_squeeze %dma_start3A_7 : memref<1x640x8xf32, #tpu.memory_space<hbm>> -> memref<640x8xf32, #tpu.memory_space<hbm>>
      %dma_start3A_9 = arith.constant 0 : i32
      %dma_start3A_10 = tpu.memref_slice %arg8[%mul3A_0, %dma_start3A_9] : memref<10240x8xf32, #tpu.memory_space<vmem_shared>> -> memref<640x8xf32, #tpu.memory_space<vmem_shared>>
      tpu.enqueue_dma source(%dma_start3A_10 : memref<640x8xf32, #tpu.memory_space<vmem_shared>>) target(%dma_start3A_8 : memref<640x8xf32, #tpu.memory_space<hbm>>) target_semaphore(%run_scoped3A : memref<!tpu.dma_semaphore, #tpu.memory_space<semaphore_mem>>)
      %dma_wait3A = arith.constant 0 : i32
      %dma_wait3A_11 = tpu.memref_slice %arg5[%arg0, %mul3A_0, %dma_wait3A] : memref<2x10240x8xf32, #tpu.memory_space<hbm>> -> memref<1x640x8xf32, #tpu.memory_space<hbm>>
      %dma_wait3A_12 = tpu.memref_squeeze %dma_wait3A_11 : memref<1x640x8xf32, #tpu.memory_space<hbm>> -> memref<640x8xf32, #tpu.memory_space<hbm>>
      %dma_wait3A_13 = arith.constant 0 : i32
      %dma_wait3A_14 = tpu.memref_slice %arg8[%mul3A_0, %dma_wait3A_13] : memref<10240x8xf32, #tpu.memory_space<vmem_shared>> -> memref<640x8xf32, #tpu.memory_space<vmem_shared>>
      tpu.wait_dma2 semaphore(%run_scoped3A : memref<!tpu.dma_semaphore, #tpu.memory_space<semaphore_mem>>) src(%dma_wait3A_14 : memref<640x8xf32, #tpu.memory_space<vmem_shared>>) dst(%dma_wait3A_12 : memref<640x8xf32, #tpu.memory_space<hbm>>)
      tpu.yield
    }) : () -> ()
    return
  }
}

#map = affine_map<(d0, d1) -> (0, 0)>
#map1 = affine_map<(d0, d1) -> (0, 0, 0, 0, 0)>
#map2 = affine_map<(d0, d1) -> (0, 0, 0)>
module attributes {stable_mosaic.version = 14 : i64} {
  func.func @_prop_kernel(%arg0: i32, %arg1: i32, %arg2: memref<10240x128xbf16, #tpu.memory_space<hbm>>, %arg3: memref<2x2x16x126x80xi32, #tpu.memory_space<hbm>>, %arg4: memref<640x128xbf16, #tpu.memory_space<hbm>>, %arg5: memref<2x10240x128xbf16, #tpu.memory_space<hbm>>, %arg6: memref<126x80xi32, #tpu.memory_space<vmem>>, %arg7: memref<126x80xi32, #tpu.memory_space<vmem>>, %arg8: memref<80x128xbf16, #tpu.memory_space<vmem>>, %arg9: memref<80x128xbf16, #tpu.memory_space<vmem>>, %arg10: memref<10240x128xbf16, #tpu.memory_space<vmem_shared>>, %arg11: memref<!tpu.dma_semaphore, #tpu.memory_space<semaphore_mem>>, %arg12: memref<!tpu.dma_semaphore, #tpu.memory_space<semaphore_mem>>, %arg13: memref<!tpu.dma_semaphore, #tpu.memory_space<semaphore_mem>>, %arg14: memref<!tpu.dma_semaphore, #tpu.memory_space<semaphore_mem>>) attributes {dimension_semantics = [#tpu.dimension_semantics<core_parallel>, #tpu.dimension_semantics<subcore_parallel>], iteration_bounds = array<i64: 2, 16>, scalar_prefetch = 0 : i64, scratch_operands = 9 : i64, tpu.core_type = #tpu.core_type<sc_vector_subcore>, window_params = [{transform_indices = #map}, {transform_indices = #map1}, {transform_indices = #map}, {transform_indices = #map2}]} {
    %mul3A = arith.constant 640 : i32
    %mul3A_0 = arith.muli %arg1, %mul3A : i32
    %run_scoped3A = arith.constant 0 : i32
    "tpu.region"() ({
      %run_scoped3A_19 = tpu.sem_alloc : memref<!tpu.dma_semaphore, #tpu.memory_space<semaphore_mem>>
      %dma_start3A_20 = arith.constant 0 : i32
      %dma_start3A_21 = arith.constant 0 : i32
      %dma_start3A_22 = tpu.memref_slice %arg3[%run_scoped3A, %arg0, %arg1, %dma_start3A_20, %dma_start3A_21] : memref<2x2x16x126x80xi32, #tpu.memory_space<hbm>> -> memref<1x1x1x126x80xi32, #tpu.memory_space<hbm>>
      %dma_start3A_23 = tpu.memref_squeeze %dma_start3A_22 : memref<1x1x1x126x80xi32, #tpu.memory_space<hbm>> -> memref<126x80xi32, #tpu.memory_space<hbm>>
      %dma_start3A_24 = arith.constant 0 : i32
      %dma_start3A_25 = arith.constant 0 : i32
      %dma_start3A_26 = tpu.memref_slice %arg3[%run_scoped3A, %arg0, %arg1, %dma_start3A_24, %dma_start3A_25] : memref<2x2x16x126x80xi32, #tpu.memory_space<hbm>> -> memref<1x1x1x126x80xi32, #tpu.memory_space<hbm>>
      %dma_start3A_27 = tpu.memref_squeeze %dma_start3A_26 : memref<1x1x1x126x80xi32, #tpu.memory_space<hbm>> -> memref<126x80xi32, #tpu.memory_space<hbm>>
      tpu.enqueue_dma source(%dma_start3A_27 : memref<126x80xi32, #tpu.memory_space<hbm>>) target(%arg6 : memref<126x80xi32, #tpu.memory_space<vmem>>) target_semaphore(%run_scoped3A_19 : memref<!tpu.dma_semaphore, #tpu.memory_space<semaphore_mem>>)
      %dma_wait3A_28 = arith.constant 0 : i32
      %dma_wait3A_29 = arith.constant 0 : i32
      %dma_wait3A_30 = tpu.memref_slice %arg3[%run_scoped3A, %arg0, %arg1, %dma_wait3A_28, %dma_wait3A_29] : memref<2x2x16x126x80xi32, #tpu.memory_space<hbm>> -> memref<1x1x1x126x80xi32, #tpu.memory_space<hbm>>
      %dma_wait3A_31 = tpu.memref_squeeze %dma_wait3A_30 : memref<1x1x1x126x80xi32, #tpu.memory_space<hbm>> -> memref<126x80xi32, #tpu.memory_space<hbm>>
      %dma_wait3A_32 = arith.constant 0 : i32
      %dma_wait3A_33 = arith.constant 0 : i32
      %dma_wait3A_34 = tpu.memref_slice %arg3[%run_scoped3A, %arg0, %arg1, %dma_wait3A_32, %dma_wait3A_33] : memref<2x2x16x126x80xi32, #tpu.memory_space<hbm>> -> memref<1x1x1x126x80xi32, #tpu.memory_space<hbm>>
      %dma_wait3A_35 = tpu.memref_squeeze %dma_wait3A_34 : memref<1x1x1x126x80xi32, #tpu.memory_space<hbm>> -> memref<126x80xi32, #tpu.memory_space<hbm>>
      tpu.wait_dma2 semaphore(%run_scoped3A_19 : memref<!tpu.dma_semaphore, #tpu.memory_space<semaphore_mem>>) src(%dma_wait3A_35 : memref<126x80xi32, #tpu.memory_space<hbm>>) dst(%arg6 : memref<126x80xi32, #tpu.memory_space<vmem>>)
      tpu.yield
    }) : () -> ()
    %run_scoped3A_1 = arith.constant 1 : i32
    "tpu.region"() ({
      %run_scoped3A_19 = tpu.sem_alloc : memref<!tpu.dma_semaphore, #tpu.memory_space<semaphore_mem>>
      %dma_start3A_20 = arith.constant 0 : i32
      %dma_start3A_21 = arith.constant 0 : i32
      %dma_start3A_22 = tpu.memref_slice %arg3[%run_scoped3A_1, %arg0, %arg1, %dma_start3A_20, %dma_start3A_21] : memref<2x2x16x126x80xi32, #tpu.memory_space<hbm>> -> memref<1x1x1x126x80xi32, #tpu.memory_space<hbm>>
      %dma_start3A_23 = tpu.memref_squeeze %dma_start3A_22 : memref<1x1x1x126x80xi32, #tpu.memory_space<hbm>> -> memref<126x80xi32, #tpu.memory_space<hbm>>
      %dma_start3A_24 = arith.constant 0 : i32
      %dma_start3A_25 = arith.constant 0 : i32
      %dma_start3A_26 = tpu.memref_slice %arg3[%run_scoped3A_1, %arg0, %arg1, %dma_start3A_24, %dma_start3A_25] : memref<2x2x16x126x80xi32, #tpu.memory_space<hbm>> -> memref<1x1x1x126x80xi32, #tpu.memory_space<hbm>>
      %dma_start3A_27 = tpu.memref_squeeze %dma_start3A_26 : memref<1x1x1x126x80xi32, #tpu.memory_space<hbm>> -> memref<126x80xi32, #tpu.memory_space<hbm>>
      tpu.enqueue_dma source(%dma_start3A_27 : memref<126x80xi32, #tpu.memory_space<hbm>>) target(%arg7 : memref<126x80xi32, #tpu.memory_space<vmem>>) target_semaphore(%run_scoped3A_19 : memref<!tpu.dma_semaphore, #tpu.memory_space<semaphore_mem>>)
      %dma_wait3A_28 = arith.constant 0 : i32
      %dma_wait3A_29 = arith.constant 0 : i32
      %dma_wait3A_30 = tpu.memref_slice %arg3[%run_scoped3A_1, %arg0, %arg1, %dma_wait3A_28, %dma_wait3A_29] : memref<2x2x16x126x80xi32, #tpu.memory_space<hbm>> -> memref<1x1x1x126x80xi32, #tpu.memory_space<hbm>>
      %dma_wait3A_31 = tpu.memref_squeeze %dma_wait3A_30 : memref<1x1x1x126x80xi32, #tpu.memory_space<hbm>> -> memref<126x80xi32, #tpu.memory_space<hbm>>
      %dma_wait3A_32 = arith.constant 0 : i32
      %dma_wait3A_33 = arith.constant 0 : i32
      %dma_wait3A_34 = tpu.memref_slice %arg3[%run_scoped3A_1, %arg0, %arg1, %dma_wait3A_32, %dma_wait3A_33] : memref<2x2x16x126x80xi32, #tpu.memory_space<hbm>> -> memref<1x1x1x126x80xi32, #tpu.memory_space<hbm>>
      %dma_wait3A_35 = tpu.memref_squeeze %dma_wait3A_34 : memref<1x1x1x126x80xi32, #tpu.memory_space<hbm>> -> memref<126x80xi32, #tpu.memory_space<hbm>>
      tpu.wait_dma2 semaphore(%run_scoped3A_19 : memref<!tpu.dma_semaphore, #tpu.memory_space<semaphore_mem>>) src(%dma_wait3A_35 : memref<126x80xi32, #tpu.memory_space<hbm>>) dst(%arg7 : memref<126x80xi32, #tpu.memory_space<vmem>>)
      tpu.yield
    }) : () -> ()
    "tpu.region"() ({
      %run_scoped3A_19 = tpu.sem_alloc : memref<!tpu.dma_semaphore, #tpu.memory_space<semaphore_mem>>
      %dma_start3A_20 = arith.constant 0 : i32
      %dma_start3A_21 = tpu.memref_slice %arg10[%mul3A_0, %dma_start3A_20] : memref<10240x128xbf16, #tpu.memory_space<vmem_shared>> -> memref<640x128xbf16, #tpu.memory_space<vmem_shared>>
      tpu.enqueue_dma source(%arg4 : memref<640x128xbf16, #tpu.memory_space<hbm>>) target(%dma_start3A_21 : memref<640x128xbf16, #tpu.memory_space<vmem_shared>>) target_semaphore(%run_scoped3A_19 : memref<!tpu.dma_semaphore, #tpu.memory_space<semaphore_mem>>)
      %dma_wait3A_22 = arith.constant 0 : i32
      %dma_wait3A_23 = tpu.memref_slice %arg10[%mul3A_0, %dma_wait3A_22] : memref<10240x128xbf16, #tpu.memory_space<vmem_shared>> -> memref<640x128xbf16, #tpu.memory_space<vmem_shared>>
      tpu.wait_dma2 semaphore(%run_scoped3A_19 : memref<!tpu.dma_semaphore, #tpu.memory_space<semaphore_mem>>) src(%arg4 : memref<640x128xbf16, #tpu.memory_space<hbm>>) dst(%dma_wait3A_23 : memref<640x128xbf16, #tpu.memory_space<vmem_shared>>)
      tpu.yield
    }) : () -> ()
    %barrier3A = arith.constant 0 : index
    tpu.barrier barrier_id(%barrier3A)
    %dma_start3A = arith.constant 0 : i32
    %dma_start3A_2 = arith.constant 0 : i32
    %dma_start3A_3 = tpu.memref_slice %arg6[%dma_start3A, %dma_start3A_2] : memref<126x80xi32, #tpu.memory_space<vmem>> -> memref<1x80xi32, #tpu.memory_space<vmem>>
    %dma_start3A_4 = tpu.memref_squeeze %dma_start3A_3 : memref<1x80xi32, #tpu.memory_space<vmem>> -> memref<80xi32, #tpu.memory_space<vmem>>
    %dma_start3A_5 = arith.constant 0 : i32
    %dma_start3A_6 = arith.constant 0 : i32
    %dma_start3A_7 = tpu.memref_slice %arg2[%dma_start3A_5, %dma_start3A_6] : memref<10240x128xbf16, #tpu.memory_space<hbm>> -> memref<10240x128xbf16, #tpu.memory_space<hbm>>
    tpu.enqueue_indirect_dma source(%dma_start3A_7 : memref<10240x128xbf16, #tpu.memory_space<hbm>>) target(%arg8 : memref<80x128xbf16, #tpu.memory_space<vmem>>) offsets(%dma_start3A_4 : memref<80xi32, #tpu.memory_space<vmem>>) semaphore(%arg11 : memref<!tpu.dma_semaphore, #tpu.memory_space<semaphore_mem>>)
    %scan3A = arith.constant 0 : i32
    %scan3A_8 = arith.constant 63 : i32
    %scan3A_9 = arith.addi %scan3A, %scan3A_8 : i32
    %scan3A_10 = arith.constant 1 : i32
    scf.for %scan3A_19 = %scan3A to %scan3A_9 step %scan3A_10  : i32 {
      %mul3A_20 = arith.constant 2 : i32
      %mul3A_21 = arith.muli %scan3A_19, %mul3A_20 : i32
      %add3A = arith.constant 0 : i32
      %add3A_22 = arith.addi %add3A, %mul3A_21 : i32
      %dma_wait3A_23 = arith.constant 0 : i32
      %dma_wait3A_24 = arith.constant 0 : i32
      %dma_wait3A_25 = tpu.memref_slice %arg6[%dma_wait3A_23, %dma_wait3A_24] : memref<126x80xi32, #tpu.memory_space<vmem>> -> memref<1x80xi32, #tpu.memory_space<vmem>>
      %dma_wait3A_26 = tpu.memref_squeeze %dma_wait3A_25 : memref<1x80xi32, #tpu.memory_space<vmem>> -> memref<80xi32, #tpu.memory_space<vmem>>
      %dma_wait3A_27 = arith.constant 0 : i32
      %dma_wait3A_28 = arith.constant 0 : i32
      %dma_wait3A_29 = tpu.memref_slice %arg2[%dma_wait3A_27, %dma_wait3A_28] : memref<10240x128xbf16, #tpu.memory_space<hbm>> -> memref<10240x128xbf16, #tpu.memory_space<hbm>>
      tpu.wait_indirect_dma semaphore(%arg11 : memref<!tpu.dma_semaphore, #tpu.memory_space<semaphore_mem>>) src(%dma_wait3A_29 : memref<10240x128xbf16, #tpu.memory_space<hbm>>) dst(%arg8 : memref<80x128xbf16, #tpu.memory_space<vmem>>)
      %dma_start3A_30 = arith.constant 0 : i32
      %dma_start3A_31 = tpu.memref_slice %arg7[%add3A_22, %dma_start3A_30] : memref<126x80xi32, #tpu.memory_space<vmem>> -> memref<1x80xi32, #tpu.memory_space<vmem>>
      %dma_start3A_32 = tpu.memref_squeeze %dma_start3A_31 : memref<1x80xi32, #tpu.memory_space<vmem>> -> memref<80xi32, #tpu.memory_space<vmem>>
      %dma_start3A_33 = arith.constant 0 : i32
      %dma_start3A_34 = arith.constant 0 : i32
      %dma_start3A_35 = tpu.memref_slice %arg10[%dma_start3A_33, %dma_start3A_34] : memref<10240x128xbf16, #tpu.memory_space<vmem_shared>> -> memref<10240x128xbf16, #tpu.memory_space<vmem_shared>>
      tpu.enqueue_indirect_dma source(%arg8 : memref<80x128xbf16, #tpu.memory_space<vmem>>) target(%dma_start3A_35 : memref<10240x128xbf16, #tpu.memory_space<vmem_shared>>) offsets(%dma_start3A_32 : memref<80xi32, #tpu.memory_space<vmem>>) semaphore(%arg13 : memref<!tpu.dma_semaphore, #tpu.memory_space<semaphore_mem>>) {add = true}
      %gt3A = arith.constant 0 : i32
      %gt3A_36 = arith.cmpi sgt, %add3A_22, %gt3A : i32
      %convert_element_type3A = arith.extui %gt3A_36 : i1 to i32
      %cond3A = arith.constant 0 : i32
      %cond3A_37 = arith.cmpi ne, %convert_element_type3A, %cond3A : i32
      scf.if %cond3A_37 {
        %dma_wait3A_74 = arith.constant 0 : i32
        %dma_wait3A_75 = arith.constant 0 : i32
        %dma_wait3A_76 = tpu.memref_slice %arg7[%dma_wait3A_74, %dma_wait3A_75] : memref<126x80xi32, #tpu.memory_space<vmem>> -> memref<1x80xi32, #tpu.memory_space<vmem>>
        %dma_wait3A_77 = tpu.memref_squeeze %dma_wait3A_76 : memref<1x80xi32, #tpu.memory_space<vmem>> -> memref<80xi32, #tpu.memory_space<vmem>>
        %dma_wait3A_78 = arith.constant 0 : i32
        %dma_wait3A_79 = arith.constant 0 : i32
        %dma_wait3A_80 = tpu.memref_slice %arg10[%dma_wait3A_78, %dma_wait3A_79] : memref<10240x128xbf16, #tpu.memory_space<vmem_shared>> -> memref<10240x128xbf16, #tpu.memory_space<vmem_shared>>
        tpu.wait_indirect_dma semaphore(%arg14 : memref<!tpu.dma_semaphore, #tpu.memory_space<semaphore_mem>>) src(%arg9 : memref<80x128xbf16, #tpu.memory_space<vmem>>) dst(%dma_wait3A_80 : memref<10240x128xbf16, #tpu.memory_space<vmem_shared>>)
      } else {
      }
      %add3A_38 = arith.constant 1 : i32
      %add3A_39 = arith.addi %add3A_22, %add3A_38 : i32
      %dma_start3A_40 = arith.constant 0 : i32
      %dma_start3A_41 = tpu.memref_slice %arg6[%add3A_39, %dma_start3A_40] : memref<126x80xi32, #tpu.memory_space<vmem>> -> memref<1x80xi32, #tpu.memory_space<vmem>>
      %dma_start3A_42 = tpu.memref_squeeze %dma_start3A_41 : memref<1x80xi32, #tpu.memory_space<vmem>> -> memref<80xi32, #tpu.memory_space<vmem>>
      %dma_start3A_43 = arith.constant 0 : i32
      %dma_start3A_44 = arith.constant 0 : i32
      %dma_start3A_45 = tpu.memref_slice %arg2[%dma_start3A_43, %dma_start3A_44] : memref<10240x128xbf16, #tpu.memory_space<hbm>> -> memref<10240x128xbf16, #tpu.memory_space<hbm>>
      tpu.enqueue_indirect_dma source(%dma_start3A_45 : memref<10240x128xbf16, #tpu.memory_space<hbm>>) target(%arg9 : memref<80x128xbf16, #tpu.memory_space<vmem>>) offsets(%dma_start3A_42 : memref<80xi32, #tpu.memory_space<vmem>>) semaphore(%arg12 : memref<!tpu.dma_semaphore, #tpu.memory_space<semaphore_mem>>)
      %dma_wait3A_46 = arith.constant 0 : i32
      %dma_wait3A_47 = arith.constant 0 : i32
      %dma_wait3A_48 = tpu.memref_slice %arg6[%dma_wait3A_46, %dma_wait3A_47] : memref<126x80xi32, #tpu.memory_space<vmem>> -> memref<1x80xi32, #tpu.memory_space<vmem>>
      %dma_wait3A_49 = tpu.memref_squeeze %dma_wait3A_48 : memref<1x80xi32, #tpu.memory_space<vmem>> -> memref<80xi32, #tpu.memory_space<vmem>>
      %dma_wait3A_50 = arith.constant 0 : i32
      %dma_wait3A_51 = arith.constant 0 : i32
      %dma_wait3A_52 = tpu.memref_slice %arg2[%dma_wait3A_50, %dma_wait3A_51] : memref<10240x128xbf16, #tpu.memory_space<hbm>> -> memref<10240x128xbf16, #tpu.memory_space<hbm>>
      tpu.wait_indirect_dma semaphore(%arg12 : memref<!tpu.dma_semaphore, #tpu.memory_space<semaphore_mem>>) src(%dma_wait3A_52 : memref<10240x128xbf16, #tpu.memory_space<hbm>>) dst(%arg9 : memref<80x128xbf16, #tpu.memory_space<vmem>>)
      %add3A_53 = arith.constant 1 : i32
      %add3A_54 = arith.addi %add3A_22, %add3A_53 : i32
      %dma_start3A_55 = arith.constant 0 : i32
      %dma_start3A_56 = tpu.memref_slice %arg7[%add3A_54, %dma_start3A_55] : memref<126x80xi32, #tpu.memory_space<vmem>> -> memref<1x80xi32, #tpu.memory_space<vmem>>
      %dma_start3A_57 = tpu.memref_squeeze %dma_start3A_56 : memref<1x80xi32, #tpu.memory_space<vmem>> -> memref<80xi32, #tpu.memory_space<vmem>>
      %dma_start3A_58 = arith.constant 0 : i32
      %dma_start3A_59 = arith.constant 0 : i32
      %dma_start3A_60 = tpu.memref_slice %arg10[%dma_start3A_58, %dma_start3A_59] : memref<10240x128xbf16, #tpu.memory_space<vmem_shared>> -> memref<10240x128xbf16, #tpu.memory_space<vmem_shared>>
      tpu.enqueue_indirect_dma source(%arg9 : memref<80x128xbf16, #tpu.memory_space<vmem>>) target(%dma_start3A_60 : memref<10240x128xbf16, #tpu.memory_space<vmem_shared>>) offsets(%dma_start3A_57 : memref<80xi32, #tpu.memory_space<vmem>>) semaphore(%arg14 : memref<!tpu.dma_semaphore, #tpu.memory_space<semaphore_mem>>) {add = true}
      %dma_wait3A_61 = arith.constant 0 : i32
      %dma_wait3A_62 = arith.constant 0 : i32
      %dma_wait3A_63 = tpu.memref_slice %arg7[%dma_wait3A_61, %dma_wait3A_62] : memref<126x80xi32, #tpu.memory_space<vmem>> -> memref<1x80xi32, #tpu.memory_space<vmem>>
      %dma_wait3A_64 = tpu.memref_squeeze %dma_wait3A_63 : memref<1x80xi32, #tpu.memory_space<vmem>> -> memref<80xi32, #tpu.memory_space<vmem>>
      %dma_wait3A_65 = arith.constant 0 : i32
      %dma_wait3A_66 = arith.constant 0 : i32
      %dma_wait3A_67 = tpu.memref_slice %arg10[%dma_wait3A_65, %dma_wait3A_66] : memref<10240x128xbf16, #tpu.memory_space<vmem_shared>> -> memref<10240x128xbf16, #tpu.memory_space<vmem_shared>>
      tpu.wait_indirect_dma semaphore(%arg13 : memref<!tpu.dma_semaphore, #tpu.memory_space<semaphore_mem>>) src(%arg8 : memref<80x128xbf16, #tpu.memory_space<vmem>>) dst(%dma_wait3A_67 : memref<10240x128xbf16, #tpu.memory_space<vmem_shared>>)
      %add3A_68 = arith.constant 2 : i32
      %add3A_69 = arith.addi %add3A_22, %add3A_68 : i32
      %lt3A = arith.constant 126 : i32
      %lt3A_70 = arith.cmpi slt, %add3A_69, %lt3A : i32
      %convert_element_type3A_71 = arith.extui %lt3A_70 : i1 to i32
      %cond3A_72 = arith.constant 0 : i32
      %cond3A_73 = arith.cmpi ne, %convert_element_type3A_71, %cond3A_72 : i32
      scf.if %cond3A_73 {
        %add3A_74 = arith.constant 2 : i32
        %add3A_75 = arith.addi %add3A_22, %add3A_74 : i32
        %dma_start3A_76 = arith.constant 0 : i32
        %dma_start3A_77 = tpu.memref_slice %arg6[%add3A_75, %dma_start3A_76] : memref<126x80xi32, #tpu.memory_space<vmem>> -> memref<1x80xi32, #tpu.memory_space<vmem>>
        %dma_start3A_78 = tpu.memref_squeeze %dma_start3A_77 : memref<1x80xi32, #tpu.memory_space<vmem>> -> memref<80xi32, #tpu.memory_space<vmem>>
        %dma_start3A_79 = arith.constant 0 : i32
        %dma_start3A_80 = arith.constant 0 : i32
        %dma_start3A_81 = tpu.memref_slice %arg2[%dma_start3A_79, %dma_start3A_80] : memref<10240x128xbf16, #tpu.memory_space<hbm>> -> memref<10240x128xbf16, #tpu.memory_space<hbm>>
        tpu.enqueue_indirect_dma source(%dma_start3A_81 : memref<10240x128xbf16, #tpu.memory_space<hbm>>) target(%arg8 : memref<80x128xbf16, #tpu.memory_space<vmem>>) offsets(%dma_start3A_78 : memref<80xi32, #tpu.memory_space<vmem>>) semaphore(%arg11 : memref<!tpu.dma_semaphore, #tpu.memory_space<semaphore_mem>>)
      } else {
      }
    }
    %scan3A_11 = arith.constant 63 : i32
    %dma_wait3A = arith.constant 0 : i32
    %dma_wait3A_12 = arith.constant 0 : i32
    %dma_wait3A_13 = tpu.memref_slice %arg7[%dma_wait3A, %dma_wait3A_12] : memref<126x80xi32, #tpu.memory_space<vmem>> -> memref<1x80xi32, #tpu.memory_space<vmem>>
    %dma_wait3A_14 = tpu.memref_squeeze %dma_wait3A_13 : memref<1x80xi32, #tpu.memory_space<vmem>> -> memref<80xi32, #tpu.memory_space<vmem>>
    %dma_wait3A_15 = arith.constant 0 : i32
    %dma_wait3A_16 = arith.constant 0 : i32
    %dma_wait3A_17 = tpu.memref_slice %arg10[%dma_wait3A_15, %dma_wait3A_16] : memref<10240x128xbf16, #tpu.memory_space<vmem_shared>> -> memref<10240x128xbf16, #tpu.memory_space<vmem_shared>>
    tpu.wait_indirect_dma semaphore(%arg14 : memref<!tpu.dma_semaphore, #tpu.memory_space<semaphore_mem>>) src(%arg9 : memref<80x128xbf16, #tpu.memory_space<vmem>>) dst(%dma_wait3A_17 : memref<10240x128xbf16, #tpu.memory_space<vmem_shared>>)
    %barrier3A_18 = arith.constant 0 : index
    tpu.barrier barrier_id(%barrier3A_18)
    "tpu.region"() ({
      %run_scoped3A_19 = tpu.sem_alloc : memref<!tpu.dma_semaphore, #tpu.memory_space<semaphore_mem>>
      %dma_start3A_20 = arith.constant 0 : i32
      %dma_start3A_21 = tpu.memref_slice %arg5[%arg0, %mul3A_0, %dma_start3A_20] : memref<2x10240x128xbf16, #tpu.memory_space<hbm>> -> memref<1x640x128xbf16, #tpu.memory_space<hbm>>
      %dma_start3A_22 = tpu.memref_squeeze %dma_start3A_21 : memref<1x640x128xbf16, #tpu.memory_space<hbm>> -> memref<640x128xbf16, #tpu.memory_space<hbm>>
      %dma_start3A_23 = arith.constant 0 : i32
      %dma_start3A_24 = tpu.memref_slice %arg10[%mul3A_0, %dma_start3A_23] : memref<10240x128xbf16, #tpu.memory_space<vmem_shared>> -> memref<640x128xbf16, #tpu.memory_space<vmem_shared>>
      tpu.enqueue_dma source(%dma_start3A_24 : memref<640x128xbf16, #tpu.memory_space<vmem_shared>>) target(%dma_start3A_22 : memref<640x128xbf16, #tpu.memory_space<hbm>>) target_semaphore(%run_scoped3A_19 : memref<!tpu.dma_semaphore, #tpu.memory_space<semaphore_mem>>)
      %dma_wait3A_25 = arith.constant 0 : i32
      %dma_wait3A_26 = tpu.memref_slice %arg5[%arg0, %mul3A_0, %dma_wait3A_25] : memref<2x10240x128xbf16, #tpu.memory_space<hbm>> -> memref<1x640x128xbf16, #tpu.memory_space<hbm>>
      %dma_wait3A_27 = tpu.memref_squeeze %dma_wait3A_26 : memref<1x640x128xbf16, #tpu.memory_space<hbm>> -> memref<640x128xbf16, #tpu.memory_space<hbm>>
      %dma_wait3A_28 = arith.constant 0 : i32
      %dma_wait3A_29 = tpu.memref_slice %arg10[%mul3A_0, %dma_wait3A_28] : memref<10240x128xbf16, #tpu.memory_space<vmem_shared>> -> memref<640x128xbf16, #tpu.memory_space<vmem_shared>>
      tpu.wait_dma2 semaphore(%run_scoped3A_19 : memref<!tpu.dma_semaphore, #tpu.memory_space<semaphore_mem>>) src(%dma_wait3A_29 : memref<640x128xbf16, #tpu.memory_space<vmem_shared>>) dst(%dma_wait3A_27 : memref<640x128xbf16, #tpu.memory_space<hbm>>)
      tpu.yield
    }) : () -> ()
    return
  }
}

#map = affine_map<(d0, d1) -> (0, 0)>
#map1 = affine_map<(d0, d1) -> (0, 0, 0, 0, 0)>
#map2 = affine_map<(d0, d1) -> (0, 0, 0)>
module attributes {stable_mosaic.version = 14 : i64} {
  func.func @_prop_kernel(%arg0: i32, %arg1: i32, %arg2: memref<10240x128xbf16, #tpu.memory_space<hbm>>, %arg3: memref<2x2x16x126x80xi32, #tpu.memory_space<hbm>>, %arg4: memref<640x128xbf16, #tpu.memory_space<hbm>>, %arg5: memref<2x10240x128xbf16, #tpu.memory_space<hbm>>, %arg6: memref<126x80xi32, #tpu.memory_space<vmem>>, %arg7: memref<126x80xi32, #tpu.memory_space<vmem>>, %arg8: memref<80x128xbf16, #tpu.memory_space<vmem>>, %arg9: memref<80x128xbf16, #tpu.memory_space<vmem>>, %arg10: memref<10240x128xbf16, #tpu.memory_space<vmem_shared>>, %arg11: memref<!tpu.dma_semaphore, #tpu.memory_space<semaphore_mem>>, %arg12: memref<!tpu.dma_semaphore, #tpu.memory_space<semaphore_mem>>, %arg13: memref<!tpu.dma_semaphore, #tpu.memory_space<semaphore_mem>>, %arg14: memref<!tpu.dma_semaphore, #tpu.memory_space<semaphore_mem>>) attributes {dimension_semantics = [#tpu.dimension_semantics<core_parallel>, #tpu.dimension_semantics<subcore_parallel>], iteration_bounds = array<i64: 2, 16>, scalar_prefetch = 0 : i64, scratch_operands = 9 : i64, tpu.core_type = #tpu.core_type<sc_vector_subcore>, window_params = [{transform_indices = #map}, {transform_indices = #map1}, {transform_indices = #map}, {transform_indices = #map2}]} {
    %mul3A = arith.constant 640 : i32
    %mul3A_0 = arith.muli %arg1, %mul3A : i32
    %run_scoped3A = arith.constant 0 : i32
    "tpu.region"() ({
      %run_scoped3A_19 = tpu.sem_alloc : memref<!tpu.dma_semaphore, #tpu.memory_space<semaphore_mem>>
      %dma_start3A_20 = arith.constant 0 : i32
      %dma_start3A_21 = arith.constant 0 : i32
      %dma_start3A_22 = tpu.memref_slice %arg3[%run_scoped3A, %arg0, %arg1, %dma_start3A_20, %dma_start3A_21] : memref<2x2x16x126x80xi32, #tpu.memory_space<hbm>> -> memref<1x1x1x126x80xi32, #tpu.memory_space<hbm>>
      %dma_start3A_23 = tpu.memref_squeeze %dma_start3A_22 : memref<1x1x1x126x80xi32, #tpu.memory_space<hbm>> -> memref<126x80xi32, #tpu.memory_space<hbm>>
      %dma_start3A_24 = arith.constant 0 : i32
      %dma_start3A_25 = arith.constant 0 : i32
      %dma_start3A_26 = tpu.memref_slice %arg3[%run_scoped3A, %arg0, %arg1, %dma_start3A_24, %dma_start3A_25] : memref<2x2x16x126x80xi32, #tpu.memory_space<hbm>> -> memref<1x1x1x126x80xi32, #tpu.memory_space<hbm>>
      %dma_start3A_27 = tpu.memref_squeeze %dma_start3A_26 : memref<1x1x1x126x80xi32, #tpu.memory_space<hbm>> -> memref<126x80xi32, #tpu.memory_space<hbm>>
      tpu.enqueue_dma source(%dma_start3A_27 : memref<126x80xi32, #tpu.memory_space<hbm>>) target(%arg6 : memref<126x80xi32, #tpu.memory_space<vmem>>) target_semaphore(%run_scoped3A_19 : memref<!tpu.dma_semaphore, #tpu.memory_space<semaphore_mem>>)
      %dma_wait3A_28 = arith.constant 0 : i32
      %dma_wait3A_29 = arith.constant 0 : i32
      %dma_wait3A_30 = tpu.memref_slice %arg3[%run_scoped3A, %arg0, %arg1, %dma_wait3A_28, %dma_wait3A_29] : memref<2x2x16x126x80xi32, #tpu.memory_space<hbm>> -> memref<1x1x1x126x80xi32, #tpu.memory_space<hbm>>
      %dma_wait3A_31 = tpu.memref_squeeze %dma_wait3A_30 : memref<1x1x1x126x80xi32, #tpu.memory_space<hbm>> -> memref<126x80xi32, #tpu.memory_space<hbm>>
      %dma_wait3A_32 = arith.constant 0 : i32
      %dma_wait3A_33 = arith.constant 0 : i32
      %dma_wait3A_34 = tpu.memref_slice %arg3[%run_scoped3A, %arg0, %arg1, %dma_wait3A_32, %dma_wait3A_33] : memref<2x2x16x126x80xi32, #tpu.memory_space<hbm>> -> memref<1x1x1x126x80xi32, #tpu.memory_space<hbm>>
      %dma_wait3A_35 = tpu.memref_squeeze %dma_wait3A_34 : memref<1x1x1x126x80xi32, #tpu.memory_space<hbm>> -> memref<126x80xi32, #tpu.memory_space<hbm>>
      tpu.wait_dma2 semaphore(%run_scoped3A_19 : memref<!tpu.dma_semaphore, #tpu.memory_space<semaphore_mem>>) src(%dma_wait3A_35 : memref<126x80xi32, #tpu.memory_space<hbm>>) dst(%arg6 : memref<126x80xi32, #tpu.memory_space<vmem>>)
      tpu.yield
    }) : () -> ()
    %run_scoped3A_1 = arith.constant 1 : i32
    "tpu.region"() ({
      %run_scoped3A_19 = tpu.sem_alloc : memref<!tpu.dma_semaphore, #tpu.memory_space<semaphore_mem>>
      %dma_start3A_20 = arith.constant 0 : i32
      %dma_start3A_21 = arith.constant 0 : i32
      %dma_start3A_22 = tpu.memref_slice %arg3[%run_scoped3A_1, %arg0, %arg1, %dma_start3A_20, %dma_start3A_21] : memref<2x2x16x126x80xi32, #tpu.memory_space<hbm>> -> memref<1x1x1x126x80xi32, #tpu.memory_space<hbm>>
      %dma_start3A_23 = tpu.memref_squeeze %dma_start3A_22 : memref<1x1x1x126x80xi32, #tpu.memory_space<hbm>> -> memref<126x80xi32, #tpu.memory_space<hbm>>
      %dma_start3A_24 = arith.constant 0 : i32
      %dma_start3A_25 = arith.constant 0 : i32
      %dma_start3A_26 = tpu.memref_slice %arg3[%run_scoped3A_1, %arg0, %arg1, %dma_start3A_24, %dma_start3A_25] : memref<2x2x16x126x80xi32, #tpu.memory_space<hbm>> -> memref<1x1x1x126x80xi32, #tpu.memory_space<hbm>>
      %dma_start3A_27 = tpu.memref_squeeze %dma_start3A_26 : memref<1x1x1x126x80xi32, #tpu.memory_space<hbm>> -> memref<126x80xi32, #tpu.memory_space<hbm>>
      tpu.enqueue_dma source(%dma_start3A_27 : memref<126x80xi32, #tpu.memory_space<hbm>>) target(%arg7 : memref<126x80xi32, #tpu.memory_space<vmem>>) target_semaphore(%run_scoped3A_19 : memref<!tpu.dma_semaphore, #tpu.memory_space<semaphore_mem>>)
      %dma_wait3A_28 = arith.constant 0 : i32
      %dma_wait3A_29 = arith.constant 0 : i32
      %dma_wait3A_30 = tpu.memref_slice %arg3[%run_scoped3A_1, %arg0, %arg1, %dma_wait3A_28, %dma_wait3A_29] : memref<2x2x16x126x80xi32, #tpu.memory_space<hbm>> -> memref<1x1x1x126x80xi32, #tpu.memory_space<hbm>>
      %dma_wait3A_31 = tpu.memref_squeeze %dma_wait3A_30 : memref<1x1x1x126x80xi32, #tpu.memory_space<hbm>> -> memref<126x80xi32, #tpu.memory_space<hbm>>
      %dma_wait3A_32 = arith.constant 0 : i32
      %dma_wait3A_33 = arith.constant 0 : i32
      %dma_wait3A_34 = tpu.memref_slice %arg3[%run_scoped3A_1, %arg0, %arg1, %dma_wait3A_32, %dma_wait3A_33] : memref<2x2x16x126x80xi32, #tpu.memory_space<hbm>> -> memref<1x1x1x126x80xi32, #tpu.memory_space<hbm>>
      %dma_wait3A_35 = tpu.memref_squeeze %dma_wait3A_34 : memref<1x1x1x126x80xi32, #tpu.memory_space<hbm>> -> memref<126x80xi32, #tpu.memory_space<hbm>>
      tpu.wait_dma2 semaphore(%run_scoped3A_19 : memref<!tpu.dma_semaphore, #tpu.memory_space<semaphore_mem>>) src(%dma_wait3A_35 : memref<126x80xi32, #tpu.memory_space<hbm>>) dst(%arg7 : memref<126x80xi32, #tpu.memory_space<vmem>>)
      tpu.yield
    }) : () -> ()
    "tpu.region"() ({
      %run_scoped3A_19 = tpu.sem_alloc : memref<!tpu.dma_semaphore, #tpu.memory_space<semaphore_mem>>
      %dma_start3A_20 = arith.constant 0 : i32
      %dma_start3A_21 = tpu.memref_slice %arg10[%mul3A_0, %dma_start3A_20] : memref<10240x128xbf16, #tpu.memory_space<vmem_shared>> -> memref<640x128xbf16, #tpu.memory_space<vmem_shared>>
      tpu.enqueue_dma source(%arg4 : memref<640x128xbf16, #tpu.memory_space<hbm>>) target(%dma_start3A_21 : memref<640x128xbf16, #tpu.memory_space<vmem_shared>>) target_semaphore(%run_scoped3A_19 : memref<!tpu.dma_semaphore, #tpu.memory_space<semaphore_mem>>)
      %dma_wait3A_22 = arith.constant 0 : i32
      %dma_wait3A_23 = tpu.memref_slice %arg10[%mul3A_0, %dma_wait3A_22] : memref<10240x128xbf16, #tpu.memory_space<vmem_shared>> -> memref<640x128xbf16, #tpu.memory_space<vmem_shared>>
      tpu.wait_dma2 semaphore(%run_scoped3A_19 : memref<!tpu.dma_semaphore, #tpu.memory_space<semaphore_mem>>) src(%arg4 : memref<640x128xbf16, #tpu.memory_space<hbm>>) dst(%dma_wait3A_23 : memref<640x128xbf16, #tpu.memory_space<vmem_shared>>)
      tpu.yield
    }) : () -> ()
    %barrier3A = arith.constant 0 : index
    tpu.barrier barrier_id(%barrier3A)
    %dma_start3A = arith.constant 0 : i32
    %dma_start3A_2 = arith.constant 0 : i32
    %dma_start3A_3 = tpu.memref_slice %arg6[%dma_start3A, %dma_start3A_2] : memref<126x80xi32, #tpu.memory_space<vmem>> -> memref<1x80xi32, #tpu.memory_space<vmem>>
    %dma_start3A_4 = tpu.memref_squeeze %dma_start3A_3 : memref<1x80xi32, #tpu.memory_space<vmem>> -> memref<80xi32, #tpu.memory_space<vmem>>
    %dma_start3A_5 = arith.constant 0 : i32
    %dma_start3A_6 = arith.constant 0 : i32
    %dma_start3A_7 = tpu.memref_slice %arg2[%dma_start3A_5, %dma_start3A_6] : memref<10240x128xbf16, #tpu.memory_space<hbm>> -> memref<10240x128xbf16, #tpu.memory_space<hbm>>
    tpu.enqueue_indirect_dma source(%dma_start3A_7 : memref<10240x128xbf16, #tpu.memory_space<hbm>>) target(%arg8 : memref<80x128xbf16, #tpu.memory_space<vmem>>) offsets(%dma_start3A_4 : memref<80xi32, #tpu.memory_space<vmem>>) semaphore(%arg11 : memref<!tpu.dma_semaphore, #tpu.memory_space<semaphore_mem>>)
    %scan3A = arith.constant 0 : i32
    %scan3A_8 = arith.constant 63 : i32
    %scan3A_9 = arith.addi %scan3A, %scan3A_8 : i32
    %scan3A_10 = arith.constant 1 : i32
    scf.for %scan3A_19 = %scan3A to %scan3A_9 step %scan3A_10  : i32 {
      %mul3A_20 = arith.constant 2 : i32
      %mul3A_21 = arith.muli %scan3A_19, %mul3A_20 : i32
      %add3A = arith.constant 0 : i32
      %add3A_22 = arith.addi %add3A, %mul3A_21 : i32
      %dma_wait3A_23 = arith.constant 0 : i32
      %dma_wait3A_24 = arith.constant 0 : i32
      %dma_wait3A_25 = tpu.memref_slice %arg6[%dma_wait3A_23, %dma_wait3A_24] : memref<126x80xi32, #tpu.memory_space<vmem>> -> memref<1x80xi32, #tpu.memory_space<vmem>>
      %dma_wait3A_26 = tpu.memref_squeeze %dma_wait3A_25 : memref<1x80xi32, #tpu.memory_space<vmem>> -> memref<80xi32, #tpu.memory_space<vmem>>
      %dma_wait3A_27 = arith.constant 0 : i32
      %dma_wait3A_28 = arith.constant 0 : i32
      %dma_wait3A_29 = tpu.memref_slice %arg2[%dma_wait3A_27, %dma_wait3A_28] : memref<10240x128xbf16, #tpu.memory_space<hbm>> -> memref<10240x128xbf16, #tpu.memory_space<hbm>>
      tpu.wait_indirect_dma semaphore(%arg11 : memref<!tpu.dma_semaphore, #tpu.memory_space<semaphore_mem>>) src(%dma_wait3A_29 : memref<10240x128xbf16, #tpu.memory_space<hbm>>) dst(%arg8 : memref<80x128xbf16, #tpu.memory_space<vmem>>)
      %dma_start3A_30 = arith.constant 0 : i32
      %dma_start3A_31 = tpu.memref_slice %arg7[%add3A_22, %dma_start3A_30] : memref<126x80xi32, #tpu.memory_space<vmem>> -> memref<1x80xi32, #tpu.memory_space<vmem>>
      %dma_start3A_32 = tpu.memref_squeeze %dma_start3A_31 : memref<1x80xi32, #tpu.memory_space<vmem>> -> memref<80xi32, #tpu.memory_space<vmem>>
      %dma_start3A_33 = arith.constant 0 : i32
      %dma_start3A_34 = arith.constant 0 : i32
      %dma_start3A_35 = tpu.memref_slice %arg10[%dma_start3A_33, %dma_start3A_34] : memref<10240x128xbf16, #tpu.memory_space<vmem_shared>> -> memref<10240x128xbf16, #tpu.memory_space<vmem_shared>>
      tpu.enqueue_indirect_dma source(%arg8 : memref<80x128xbf16, #tpu.memory_space<vmem>>) target(%dma_start3A_35 : memref<10240x128xbf16, #tpu.memory_space<vmem_shared>>) offsets(%dma_start3A_32 : memref<80xi32, #tpu.memory_space<vmem>>) semaphore(%arg13 : memref<!tpu.dma_semaphore, #tpu.memory_space<semaphore_mem>>) {add = true}
      %gt3A = arith.constant 0 : i32
      %gt3A_36 = arith.cmpi sgt, %add3A_22, %gt3A : i32
      %convert_element_type3A = arith.extui %gt3A_36 : i1 to i32
      %cond3A = arith.constant 0 : i32
      %cond3A_37 = arith.cmpi ne, %convert_element_type3A, %cond3A : i32
      scf.if %cond3A_37 {
        %dma_wait3A_74 = arith.constant 0 : i32
        %dma_wait3A_75 = arith.constant 0 : i32
        %dma_wait3A_76 = tpu.memref_slice %arg7[%dma_wait3A_74, %dma_wait3A_75] : memref<126x80xi32, #tpu.memory_space<vmem>> -> memref<1x80xi32, #tpu.memory_space<vmem>>
        %dma_wait3A_77 = tpu.memref_squeeze %dma_wait3A_76 : memref<1x80xi32, #tpu.memory_space<vmem>> -> memref<80xi32, #tpu.memory_space<vmem>>
        %dma_wait3A_78 = arith.constant 0 : i32
        %dma_wait3A_79 = arith.constant 0 : i32
        %dma_wait3A_80 = tpu.memref_slice %arg10[%dma_wait3A_78, %dma_wait3A_79] : memref<10240x128xbf16, #tpu.memory_space<vmem_shared>> -> memref<10240x128xbf16, #tpu.memory_space<vmem_shared>>
        tpu.wait_indirect_dma semaphore(%arg14 : memref<!tpu.dma_semaphore, #tpu.memory_space<semaphore_mem>>) src(%arg9 : memref<80x128xbf16, #tpu.memory_space<vmem>>) dst(%dma_wait3A_80 : memref<10240x128xbf16, #tpu.memory_space<vmem_shared>>)
      } else {
      }
      %add3A_38 = arith.constant 1 : i32
      %add3A_39 = arith.addi %add3A_22, %add3A_38 : i32
      %dma_start3A_40 = arith.constant 0 : i32
      %dma_start3A_41 = tpu.memref_slice %arg6[%add3A_39, %dma_start3A_40] : memref<126x80xi32, #tpu.memory_space<vmem>> -> memref<1x80xi32, #tpu.memory_space<vmem>>
      %dma_start3A_42 = tpu.memref_squeeze %dma_start3A_41 : memref<1x80xi32, #tpu.memory_space<vmem>> -> memref<80xi32, #tpu.memory_space<vmem>>
      %dma_start3A_43 = arith.constant 0 : i32
      %dma_start3A_44 = arith.constant 0 : i32
      %dma_start3A_45 = tpu.memref_slice %arg2[%dma_start3A_43, %dma_start3A_44] : memref<10240x128xbf16, #tpu.memory_space<hbm>> -> memref<10240x128xbf16, #tpu.memory_space<hbm>>
      tpu.enqueue_indirect_dma source(%dma_start3A_45 : memref<10240x128xbf16, #tpu.memory_space<hbm>>) target(%arg9 : memref<80x128xbf16, #tpu.memory_space<vmem>>) offsets(%dma_start3A_42 : memref<80xi32, #tpu.memory_space<vmem>>) semaphore(%arg12 : memref<!tpu.dma_semaphore, #tpu.memory_space<semaphore_mem>>)
      %dma_wait3A_46 = arith.constant 0 : i32
      %dma_wait3A_47 = arith.constant 0 : i32
      %dma_wait3A_48 = tpu.memref_slice %arg6[%dma_wait3A_46, %dma_wait3A_47] : memref<126x80xi32, #tpu.memory_space<vmem>> -> memref<1x80xi32, #tpu.memory_space<vmem>>
      %dma_wait3A_49 = tpu.memref_squeeze %dma_wait3A_48 : memref<1x80xi32, #tpu.memory_space<vmem>> -> memref<80xi32, #tpu.memory_space<vmem>>
      %dma_wait3A_50 = arith.constant 0 : i32
      %dma_wait3A_51 = arith.constant 0 : i32
      %dma_wait3A_52 = tpu.memref_slice %arg2[%dma_wait3A_50, %dma_wait3A_51] : memref<10240x128xbf16, #tpu.memory_space<hbm>> -> memref<10240x128xbf16, #tpu.memory_space<hbm>>
      tpu.wait_indirect_dma semaphore(%arg12 : memref<!tpu.dma_semaphore, #tpu.memory_space<semaphore_mem>>) src(%dma_wait3A_52 : memref<10240x128xbf16, #tpu.memory_space<hbm>>) dst(%arg9 : memref<80x128xbf16, #tpu.memory_space<vmem>>)
      %add3A_53 = arith.constant 1 : i32
      %add3A_54 = arith.addi %add3A_22, %add3A_53 : i32
      %dma_start3A_55 = arith.constant 0 : i32
      %dma_start3A_56 = tpu.memref_slice %arg7[%add3A_54, %dma_start3A_55] : memref<126x80xi32, #tpu.memory_space<vmem>> -> memref<1x80xi32, #tpu.memory_space<vmem>>
      %dma_start3A_57 = tpu.memref_squeeze %dma_start3A_56 : memref<1x80xi32, #tpu.memory_space<vmem>> -> memref<80xi32, #tpu.memory_space<vmem>>
      %dma_start3A_58 = arith.constant 0 : i32
      %dma_start3A_59 = arith.constant 0 : i32
      %dma_start3A_60 = tpu.memref_slice %arg10[%dma_start3A_58, %dma_start3A_59] : memref<10240x128xbf16, #tpu.memory_space<vmem_shared>> -> memref<10240x128xbf16, #tpu.memory_space<vmem_shared>>
      tpu.enqueue_indirect_dma source(%arg9 : memref<80x128xbf16, #tpu.memory_space<vmem>>) target(%dma_start3A_60 : memref<10240x128xbf16, #tpu.memory_space<vmem_shared>>) offsets(%dma_start3A_57 : memref<80xi32, #tpu.memory_space<vmem>>) semaphore(%arg14 : memref<!tpu.dma_semaphore, #tpu.memory_space<semaphore_mem>>) {add = true}
      %dma_wait3A_61 = arith.constant 0 : i32
      %dma_wait3A_62 = arith.constant 0 : i32
      %dma_wait3A_63 = tpu.memref_slice %arg7[%dma_wait3A_61, %dma_wait3A_62] : memref<126x80xi32, #tpu.memory_space<vmem>> -> memref<1x80xi32, #tpu.memory_space<vmem>>
      %dma_wait3A_64 = tpu.memref_squeeze %dma_wait3A_63 : memref<1x80xi32, #tpu.memory_space<vmem>> -> memref<80xi32, #tpu.memory_space<vmem>>
      %dma_wait3A_65 = arith.constant 0 : i32
      %dma_wait3A_66 = arith.constant 0 : i32
      %dma_wait3A_67 = tpu.memref_slice %arg10[%dma_wait3A_65, %dma_wait3A_66] : memref<10240x128xbf16, #tpu.memory_space<vmem_shared>> -> memref<10240x128xbf16, #tpu.memory_space<vmem_shared>>
      tpu.wait_indirect_dma semaphore(%arg13 : memref<!tpu.dma_semaphore, #tpu.memory_space<semaphore_mem>>) src(%arg8 : memref<80x128xbf16, #tpu.memory_space<vmem>>) dst(%dma_wait3A_67 : memref<10240x128xbf16, #tpu.memory_space<vmem_shared>>)
      %add3A_68 = arith.constant 2 : i32
      %add3A_69 = arith.addi %add3A_22, %add3A_68 : i32
      %lt3A = arith.constant 126 : i32
      %lt3A_70 = arith.cmpi slt, %add3A_69, %lt3A : i32
      %convert_element_type3A_71 = arith.extui %lt3A_70 : i1 to i32
      %cond3A_72 = arith.constant 0 : i32
      %cond3A_73 = arith.cmpi ne, %convert_element_type3A_71, %cond3A_72 : i32
      scf.if %cond3A_73 {
        %add3A_74 = arith.constant 2 : i32
        %add3A_75 = arith.addi %add3A_22, %add3A_74 : i32
        %dma_start3A_76 = arith.constant 0 : i32
        %dma_start3A_77 = tpu.memref_slice %arg6[%add3A_75, %dma_start3A_76] : memref<126x80xi32, #tpu.memory_space<vmem>> -> memref<1x80xi32, #tpu.memory_space<vmem>>
        %dma_start3A_78 = tpu.memref_squeeze %dma_start3A_77 : memref<1x80xi32, #tpu.memory_space<vmem>> -> memref<80xi32, #tpu.memory_space<vmem>>
        %dma_start3A_79 = arith.constant 0 : i32
        %dma_start3A_80 = arith.constant 0 : i32
        %dma_start3A_81 = tpu.memref_slice %arg2[%dma_start3A_79, %dma_start3A_80] : memref<10240x128xbf16, #tpu.memory_space<hbm>> -> memref<10240x128xbf16, #tpu.memory_space<hbm>>
        tpu.enqueue_indirect_dma source(%dma_start3A_81 : memref<10240x128xbf16, #tpu.memory_space<hbm>>) target(%arg8 : memref<80x128xbf16, #tpu.memory_space<vmem>>) offsets(%dma_start3A_78 : memref<80xi32, #tpu.memory_space<vmem>>) semaphore(%arg11 : memref<!tpu.dma_semaphore, #tpu.memory_space<semaphore_mem>>)
      } else {
      }
    }
    %scan3A_11 = arith.constant 63 : i32
    %dma_wait3A = arith.constant 0 : i32
    %dma_wait3A_12 = arith.constant 0 : i32
    %dma_wait3A_13 = tpu.memref_slice %arg7[%dma_wait3A, %dma_wait3A_12] : memref<126x80xi32, #tpu.memory_space<vmem>> -> memref<1x80xi32, #tpu.memory_space<vmem>>
    %dma_wait3A_14 = tpu.memref_squeeze %dma_wait3A_13 : memref<1x80xi32, #tpu.memory_space<vmem>> -> memref<80xi32, #tpu.memory_space<vmem>>
    %dma_wait3A_15 = arith.constant 0 : i32
    %dma_wait3A_16 = arith.constant 0 : i32
    %dma_wait3A_17 = tpu.memref_slice %arg10[%dma_wait3A_15, %dma_wait3A_16] : memref<10240x128xbf16, #tpu.memory_space<vmem_shared>> -> memref<10240x128xbf16, #tpu.memory_space<vmem_shared>>
    tpu.wait_indirect_dma semaphore(%arg14 : memref<!tpu.dma_semaphore, #tpu.memory_space<semaphore_mem>>) src(%arg9 : memref<80x128xbf16, #tpu.memory_space<vmem>>) dst(%dma_wait3A_17 : memref<10240x128xbf16, #tpu.memory_space<vmem_shared>>)
    %barrier3A_18 = arith.constant 0 : index
    tpu.barrier barrier_id(%barrier3A_18)
    "tpu.region"() ({
      %run_scoped3A_19 = tpu.sem_alloc : memref<!tpu.dma_semaphore, #tpu.memory_space<semaphore_mem>>
      %dma_start3A_20 = arith.constant 0 : i32
      %dma_start3A_21 = tpu.memref_slice %arg5[%arg0, %mul3A_0, %dma_start3A_20] : memref<2x10240x128xbf16, #tpu.memory_space<hbm>> -> memref<1x640x128xbf16, #tpu.memory_space<hbm>>
      %dma_start3A_22 = tpu.memref_squeeze %dma_start3A_21 : memref<1x640x128xbf16, #tpu.memory_space<hbm>> -> memref<640x128xbf16, #tpu.memory_space<hbm>>
      %dma_start3A_23 = arith.constant 0 : i32
      %dma_start3A_24 = tpu.memref_slice %arg10[%mul3A_0, %dma_start3A_23] : memref<10240x128xbf16, #tpu.memory_space<vmem_shared>> -> memref<640x128xbf16, #tpu.memory_space<vmem_shared>>
      tpu.enqueue_dma source(%dma_start3A_24 : memref<640x128xbf16, #tpu.memory_space<vmem_shared>>) target(%dma_start3A_22 : memref<640x128xbf16, #tpu.memory_space<hbm>>) target_semaphore(%run_scoped3A_19 : memref<!tpu.dma_semaphore, #tpu.memory_space<semaphore_mem>>)
      %dma_wait3A_25 = arith.constant 0 : i32
      %dma_wait3A_26 = tpu.memref_slice %arg5[%arg0, %mul3A_0, %dma_wait3A_25] : memref<2x10240x128xbf16, #tpu.memory_space<hbm>> -> memref<1x640x128xbf16, #tpu.memory_space<hbm>>
      %dma_wait3A_27 = tpu.memref_squeeze %dma_wait3A_26 : memref<1x640x128xbf16, #tpu.memory_space<hbm>> -> memref<640x128xbf16, #tpu.memory_space<hbm>>
      %dma_wait3A_28 = arith.constant 0 : i32
      %dma_wait3A_29 = tpu.memref_slice %arg10[%mul3A_0, %dma_wait3A_28] : memref<10240x128xbf16, #tpu.memory_space<vmem_shared>> -> memref<640x128xbf16, #tpu.memory_space<vmem_shared>>
      tpu.wait_dma2 semaphore(%run_scoped3A_19 : memref<!tpu.dma_semaphore, #tpu.memory_space<semaphore_mem>>) src(%dma_wait3A_29 : memref<640x128xbf16, #tpu.memory_space<vmem_shared>>) dst(%dma_wait3A_27 : memref<640x128xbf16, #tpu.memory_space<hbm>>)
      tpu.yield
    }) : () -> ()
    return
  }
}

#map = affine_map<(d0, d1) -> (0, 0)>
#map1 = affine_map<(d0, d1) -> (0, 0, 0, 0, 0)>
#map2 = affine_map<(d0, d1) -> (0, 0, 0)>
module attributes {stable_mosaic.version = 14 : i64} {
  func.func @_prop_kernel(%arg0: i32, %arg1: i32, %arg2: memref<10240x128xbf16, #tpu.memory_space<hbm>>, %arg3: memref<2x2x16x126x80xi32, #tpu.memory_space<hbm>>, %arg4: memref<640x128xbf16, #tpu.memory_space<hbm>>, %arg5: memref<2x10240x128xbf16, #tpu.memory_space<hbm>>, %arg6: memref<126x80xi32, #tpu.memory_space<vmem>>, %arg7: memref<126x80xi32, #tpu.memory_space<vmem>>, %arg8: memref<80x128xbf16, #tpu.memory_space<vmem>>, %arg9: memref<80x128xbf16, #tpu.memory_space<vmem>>, %arg10: memref<10240x128xbf16, #tpu.memory_space<vmem_shared>>, %arg11: memref<!tpu.dma_semaphore, #tpu.memory_space<semaphore_mem>>, %arg12: memref<!tpu.dma_semaphore, #tpu.memory_space<semaphore_mem>>, %arg13: memref<!tpu.dma_semaphore, #tpu.memory_space<semaphore_mem>>, %arg14: memref<!tpu.dma_semaphore, #tpu.memory_space<semaphore_mem>>) attributes {dimension_semantics = [#tpu.dimension_semantics<core_parallel>, #tpu.dimension_semantics<subcore_parallel>], iteration_bounds = array<i64: 2, 16>, scalar_prefetch = 0 : i64, scratch_operands = 9 : i64, tpu.core_type = #tpu.core_type<sc_vector_subcore>, window_params = [{transform_indices = #map}, {transform_indices = #map1}, {transform_indices = #map}, {transform_indices = #map2}]} {
    %mul3A = arith.constant 640 : i32
    %mul3A_0 = arith.muli %arg1, %mul3A : i32
    %run_scoped3A = arith.constant 0 : i32
    "tpu.region"() ({
      %run_scoped3A_19 = tpu.sem_alloc : memref<!tpu.dma_semaphore, #tpu.memory_space<semaphore_mem>>
      %dma_start3A_20 = arith.constant 0 : i32
      %dma_start3A_21 = arith.constant 0 : i32
      %dma_start3A_22 = tpu.memref_slice %arg3[%run_scoped3A, %arg0, %arg1, %dma_start3A_20, %dma_start3A_21] : memref<2x2x16x126x80xi32, #tpu.memory_space<hbm>> -> memref<1x1x1x126x80xi32, #tpu.memory_space<hbm>>
      %dma_start3A_23 = tpu.memref_squeeze %dma_start3A_22 : memref<1x1x1x126x80xi32, #tpu.memory_space<hbm>> -> memref<126x80xi32, #tpu.memory_space<hbm>>
      %dma_start3A_24 = arith.constant 0 : i32
      %dma_start3A_25 = arith.constant 0 : i32
      %dma_start3A_26 = tpu.memref_slice %arg3[%run_scoped3A, %arg0, %arg1, %dma_start3A_24, %dma_start3A_25] : memref<2x2x16x126x80xi32, #tpu.memory_space<hbm>> -> memref<1x1x1x126x80xi32, #tpu.memory_space<hbm>>
      %dma_start3A_27 = tpu.memref_squeeze %dma_start3A_26 : memref<1x1x1x126x80xi32, #tpu.memory_space<hbm>> -> memref<126x80xi32, #tpu.memory_space<hbm>>
      tpu.enqueue_dma source(%dma_start3A_27 : memref<126x80xi32, #tpu.memory_space<hbm>>) target(%arg6 : memref<126x80xi32, #tpu.memory_space<vmem>>) target_semaphore(%run_scoped3A_19 : memref<!tpu.dma_semaphore, #tpu.memory_space<semaphore_mem>>)
      %dma_wait3A_28 = arith.constant 0 : i32
      %dma_wait3A_29 = arith.constant 0 : i32
      %dma_wait3A_30 = tpu.memref_slice %arg3[%run_scoped3A, %arg0, %arg1, %dma_wait3A_28, %dma_wait3A_29] : memref<2x2x16x126x80xi32, #tpu.memory_space<hbm>> -> memref<1x1x1x126x80xi32, #tpu.memory_space<hbm>>
      %dma_wait3A_31 = tpu.memref_squeeze %dma_wait3A_30 : memref<1x1x1x126x80xi32, #tpu.memory_space<hbm>> -> memref<126x80xi32, #tpu.memory_space<hbm>>
      %dma_wait3A_32 = arith.constant 0 : i32
      %dma_wait3A_33 = arith.constant 0 : i32
      %dma_wait3A_34 = tpu.memref_slice %arg3[%run_scoped3A, %arg0, %arg1, %dma_wait3A_32, %dma_wait3A_33] : memref<2x2x16x126x80xi32, #tpu.memory_space<hbm>> -> memref<1x1x1x126x80xi32, #tpu.memory_space<hbm>>
      %dma_wait3A_35 = tpu.memref_squeeze %dma_wait3A_34 : memref<1x1x1x126x80xi32, #tpu.memory_space<hbm>> -> memref<126x80xi32, #tpu.memory_space<hbm>>
      tpu.wait_dma2 semaphore(%run_scoped3A_19 : memref<!tpu.dma_semaphore, #tpu.memory_space<semaphore_mem>>) src(%dma_wait3A_35 : memref<126x80xi32, #tpu.memory_space<hbm>>) dst(%arg6 : memref<126x80xi32, #tpu.memory_space<vmem>>)
      tpu.yield
    }) : () -> ()
    %run_scoped3A_1 = arith.constant 1 : i32
    "tpu.region"() ({
      %run_scoped3A_19 = tpu.sem_alloc : memref<!tpu.dma_semaphore, #tpu.memory_space<semaphore_mem>>
      %dma_start3A_20 = arith.constant 0 : i32
      %dma_start3A_21 = arith.constant 0 : i32
      %dma_start3A_22 = tpu.memref_slice %arg3[%run_scoped3A_1, %arg0, %arg1, %dma_start3A_20, %dma_start3A_21] : memref<2x2x16x126x80xi32, #tpu.memory_space<hbm>> -> memref<1x1x1x126x80xi32, #tpu.memory_space<hbm>>
      %dma_start3A_23 = tpu.memref_squeeze %dma_start3A_22 : memref<1x1x1x126x80xi32, #tpu.memory_space<hbm>> -> memref<126x80xi32, #tpu.memory_space<hbm>>
      %dma_start3A_24 = arith.constant 0 : i32
      %dma_start3A_25 = arith.constant 0 : i32
      %dma_start3A_26 = tpu.memref_slice %arg3[%run_scoped3A_1, %arg0, %arg1, %dma_start3A_24, %dma_start3A_25] : memref<2x2x16x126x80xi32, #tpu.memory_space<hbm>> -> memref<1x1x1x126x80xi32, #tpu.memory_space<hbm>>
      %dma_start3A_27 = tpu.memref_squeeze %dma_start3A_26 : memref<1x1x1x126x80xi32, #tpu.memory_space<hbm>> -> memref<126x80xi32, #tpu.memory_space<hbm>>
      tpu.enqueue_dma source(%dma_start3A_27 : memref<126x80xi32, #tpu.memory_space<hbm>>) target(%arg7 : memref<126x80xi32, #tpu.memory_space<vmem>>) target_semaphore(%run_scoped3A_19 : memref<!tpu.dma_semaphore, #tpu.memory_space<semaphore_mem>>)
      %dma_wait3A_28 = arith.constant 0 : i32
      %dma_wait3A_29 = arith.constant 0 : i32
      %dma_wait3A_30 = tpu.memref_slice %arg3[%run_scoped3A_1, %arg0, %arg1, %dma_wait3A_28, %dma_wait3A_29] : memref<2x2x16x126x80xi32, #tpu.memory_space<hbm>> -> memref<1x1x1x126x80xi32, #tpu.memory_space<hbm>>
      %dma_wait3A_31 = tpu.memref_squeeze %dma_wait3A_30 : memref<1x1x1x126x80xi32, #tpu.memory_space<hbm>> -> memref<126x80xi32, #tpu.memory_space<hbm>>
      %dma_wait3A_32 = arith.constant 0 : i32
      %dma_wait3A_33 = arith.constant 0 : i32
      %dma_wait3A_34 = tpu.memref_slice %arg3[%run_scoped3A_1, %arg0, %arg1, %dma_wait3A_32, %dma_wait3A_33] : memref<2x2x16x126x80xi32, #tpu.memory_space<hbm>> -> memref<1x1x1x126x80xi32, #tpu.memory_space<hbm>>
      %dma_wait3A_35 = tpu.memref_squeeze %dma_wait3A_34 : memref<1x1x1x126x80xi32, #tpu.memory_space<hbm>> -> memref<126x80xi32, #tpu.memory_space<hbm>>
      tpu.wait_dma2 semaphore(%run_scoped3A_19 : memref<!tpu.dma_semaphore, #tpu.memory_space<semaphore_mem>>) src(%dma_wait3A_35 : memref<126x80xi32, #tpu.memory_space<hbm>>) dst(%arg7 : memref<126x80xi32, #tpu.memory_space<vmem>>)
      tpu.yield
    }) : () -> ()
    "tpu.region"() ({
      %run_scoped3A_19 = tpu.sem_alloc : memref<!tpu.dma_semaphore, #tpu.memory_space<semaphore_mem>>
      %dma_start3A_20 = arith.constant 0 : i32
      %dma_start3A_21 = tpu.memref_slice %arg10[%mul3A_0, %dma_start3A_20] : memref<10240x128xbf16, #tpu.memory_space<vmem_shared>> -> memref<640x128xbf16, #tpu.memory_space<vmem_shared>>
      tpu.enqueue_dma source(%arg4 : memref<640x128xbf16, #tpu.memory_space<hbm>>) target(%dma_start3A_21 : memref<640x128xbf16, #tpu.memory_space<vmem_shared>>) target_semaphore(%run_scoped3A_19 : memref<!tpu.dma_semaphore, #tpu.memory_space<semaphore_mem>>)
      %dma_wait3A_22 = arith.constant 0 : i32
      %dma_wait3A_23 = tpu.memref_slice %arg10[%mul3A_0, %dma_wait3A_22] : memref<10240x128xbf16, #tpu.memory_space<vmem_shared>> -> memref<640x128xbf16, #tpu.memory_space<vmem_shared>>
      tpu.wait_dma2 semaphore(%run_scoped3A_19 : memref<!tpu.dma_semaphore, #tpu.memory_space<semaphore_mem>>) src(%arg4 : memref<640x128xbf16, #tpu.memory_space<hbm>>) dst(%dma_wait3A_23 : memref<640x128xbf16, #tpu.memory_space<vmem_shared>>)
      tpu.yield
    }) : () -> ()
    %barrier3A = arith.constant 0 : index
    tpu.barrier barrier_id(%barrier3A)
    %dma_start3A = arith.constant 0 : i32
    %dma_start3A_2 = arith.constant 0 : i32
    %dma_start3A_3 = tpu.memref_slice %arg6[%dma_start3A, %dma_start3A_2] : memref<126x80xi32, #tpu.memory_space<vmem>> -> memref<1x80xi32, #tpu.memory_space<vmem>>
    %dma_start3A_4 = tpu.memref_squeeze %dma_start3A_3 : memref<1x80xi32, #tpu.memory_space<vmem>> -> memref<80xi32, #tpu.memory_space<vmem>>
    %dma_start3A_5 = arith.constant 0 : i32
    %dma_start3A_6 = arith.constant 0 : i32
    %dma_start3A_7 = tpu.memref_slice %arg2[%dma_start3A_5, %dma_start3A_6] : memref<10240x128xbf16, #tpu.memory_space<hbm>> -> memref<10240x128xbf16, #tpu.memory_space<hbm>>
    tpu.enqueue_indirect_dma source(%dma_start3A_7 : memref<10240x128xbf16, #tpu.memory_space<hbm>>) target(%arg8 : memref<80x128xbf16, #tpu.memory_space<vmem>>) offsets(%dma_start3A_4 : memref<80xi32, #tpu.memory_space<vmem>>) semaphore(%arg11 : memref<!tpu.dma_semaphore, #tpu.memory_space<semaphore_mem>>)
    %scan3A = arith.constant 0 : i32
    %scan3A_8 = arith.constant 63 : i32
    %scan3A_9 = arith.addi %scan3A, %scan3A_8 : i32
    %scan3A_10 = arith.constant 1 : i32
    scf.for %scan3A_19 = %scan3A to %scan3A_9 step %scan3A_10  : i32 {
      %mul3A_20 = arith.constant 2 : i32
      %mul3A_21 = arith.muli %scan3A_19, %mul3A_20 : i32
      %add3A = arith.constant 0 : i32
      %add3A_22 = arith.addi %add3A, %mul3A_21 : i32
      %dma_wait3A_23 = arith.constant 0 : i32
      %dma_wait3A_24 = arith.constant 0 : i32
      %dma_wait3A_25 = tpu.memref_slice %arg6[%dma_wait3A_23, %dma_wait3A_24] : memref<126x80xi32, #tpu.memory_space<vmem>> -> memref<1x80xi32, #tpu.memory_space<vmem>>
      %dma_wait3A_26 = tpu.memref_squeeze %dma_wait3A_25 : memref<1x80xi32, #tpu.memory_space<vmem>> -> memref<80xi32, #tpu.memory_space<vmem>>
      %dma_wait3A_27 = arith.constant 0 : i32
      %dma_wait3A_28 = arith.constant 0 : i32
      %dma_wait3A_29 = tpu.memref_slice %arg2[%dma_wait3A_27, %dma_wait3A_28] : memref<10240x128xbf16, #tpu.memory_space<hbm>> -> memref<10240x128xbf16, #tpu.memory_space<hbm>>
      tpu.wait_indirect_dma semaphore(%arg11 : memref<!tpu.dma_semaphore, #tpu.memory_space<semaphore_mem>>) src(%dma_wait3A_29 : memref<10240x128xbf16, #tpu.memory_space<hbm>>) dst(%arg8 : memref<80x128xbf16, #tpu.memory_space<vmem>>)
      %dma_start3A_30 = arith.constant 0 : i32
      %dma_start3A_31 = tpu.memref_slice %arg7[%add3A_22, %dma_start3A_30] : memref<126x80xi32, #tpu.memory_space<vmem>> -> memref<1x80xi32, #tpu.memory_space<vmem>>
      %dma_start3A_32 = tpu.memref_squeeze %dma_start3A_31 : memref<1x80xi32, #tpu.memory_space<vmem>> -> memref<80xi32, #tpu.memory_space<vmem>>
      %dma_start3A_33 = arith.constant 0 : i32
      %dma_start3A_34 = arith.constant 0 : i32
      %dma_start3A_35 = tpu.memref_slice %arg10[%dma_start3A_33, %dma_start3A_34] : memref<10240x128xbf16, #tpu.memory_space<vmem_shared>> -> memref<10240x128xbf16, #tpu.memory_space<vmem_shared>>
      tpu.enqueue_indirect_dma source(%arg8 : memref<80x128xbf16, #tpu.memory_space<vmem>>) target(%dma_start3A_35 : memref<10240x128xbf16, #tpu.memory_space<vmem_shared>>) offsets(%dma_start3A_32 : memref<80xi32, #tpu.memory_space<vmem>>) semaphore(%arg13 : memref<!tpu.dma_semaphore, #tpu.memory_space<semaphore_mem>>) {add = true}
      %gt3A = arith.constant 0 : i32
      %gt3A_36 = arith.cmpi sgt, %add3A_22, %gt3A : i32
      %convert_element_type3A = arith.extui %gt3A_36 : i1 to i32
      %cond3A = arith.constant 0 : i32
      %cond3A_37 = arith.cmpi ne, %convert_element_type3A, %cond3A : i32
      scf.if %cond3A_37 {
        %dma_wait3A_74 = arith.constant 0 : i32
        %dma_wait3A_75 = arith.constant 0 : i32
        %dma_wait3A_76 = tpu.memref_slice %arg7[%dma_wait3A_74, %dma_wait3A_75] : memref<126x80xi32, #tpu.memory_space<vmem>> -> memref<1x80xi32, #tpu.memory_space<vmem>>
        %dma_wait3A_77 = tpu.memref_squeeze %dma_wait3A_76 : memref<1x80xi32, #tpu.memory_space<vmem>> -> memref<80xi32, #tpu.memory_space<vmem>>
        %dma_wait3A_78 = arith.constant 0 : i32
        %dma_wait3A_79 = arith.constant 0 : i32
        %dma_wait3A_80 = tpu.memref_slice %arg10[%dma_wait3A_78, %dma_wait3A_79] : memref<10240x128xbf16, #tpu.memory_space<vmem_shared>> -> memref<10240x128xbf16, #tpu.memory_space<vmem_shared>>
        tpu.wait_indirect_dma semaphore(%arg14 : memref<!tpu.dma_semaphore, #tpu.memory_space<semaphore_mem>>) src(%arg9 : memref<80x128xbf16, #tpu.memory_space<vmem>>) dst(%dma_wait3A_80 : memref<10240x128xbf16, #tpu.memory_space<vmem_shared>>)
      } else {
      }
      %add3A_38 = arith.constant 1 : i32
      %add3A_39 = arith.addi %add3A_22, %add3A_38 : i32
      %dma_start3A_40 = arith.constant 0 : i32
      %dma_start3A_41 = tpu.memref_slice %arg6[%add3A_39, %dma_start3A_40] : memref<126x80xi32, #tpu.memory_space<vmem>> -> memref<1x80xi32, #tpu.memory_space<vmem>>
      %dma_start3A_42 = tpu.memref_squeeze %dma_start3A_41 : memref<1x80xi32, #tpu.memory_space<vmem>> -> memref<80xi32, #tpu.memory_space<vmem>>
      %dma_start3A_43 = arith.constant 0 : i32
      %dma_start3A_44 = arith.constant 0 : i32
      %dma_start3A_45 = tpu.memref_slice %arg2[%dma_start3A_43, %dma_start3A_44] : memref<10240x128xbf16, #tpu.memory_space<hbm>> -> memref<10240x128xbf16, #tpu.memory_space<hbm>>
      tpu.enqueue_indirect_dma source(%dma_start3A_45 : memref<10240x128xbf16, #tpu.memory_space<hbm>>) target(%arg9 : memref<80x128xbf16, #tpu.memory_space<vmem>>) offsets(%dma_start3A_42 : memref<80xi32, #tpu.memory_space<vmem>>) semaphore(%arg12 : memref<!tpu.dma_semaphore, #tpu.memory_space<semaphore_mem>>)
      %dma_wait3A_46 = arith.constant 0 : i32
      %dma_wait3A_47 = arith.constant 0 : i32
      %dma_wait3A_48 = tpu.memref_slice %arg6[%dma_wait3A_46, %dma_wait3A_47] : memref<126x80xi32, #tpu.memory_space<vmem>> -> memref<1x80xi32, #tpu.memory_space<vmem>>
      %dma_wait3A_49 = tpu.memref_squeeze %dma_wait3A_48 : memref<1x80xi32, #tpu.memory_space<vmem>> -> memref<80xi32, #tpu.memory_space<vmem>>
      %dma_wait3A_50 = arith.constant 0 : i32
      %dma_wait3A_51 = arith.constant 0 : i32
      %dma_wait3A_52 = tpu.memref_slice %arg2[%dma_wait3A_50, %dma_wait3A_51] : memref<10240x128xbf16, #tpu.memory_space<hbm>> -> memref<10240x128xbf16, #tpu.memory_space<hbm>>
      tpu.wait_indirect_dma semaphore(%arg12 : memref<!tpu.dma_semaphore, #tpu.memory_space<semaphore_mem>>) src(%dma_wait3A_52 : memref<10240x128xbf16, #tpu.memory_space<hbm>>) dst(%arg9 : memref<80x128xbf16, #tpu.memory_space<vmem>>)
      %add3A_53 = arith.constant 1 : i32
      %add3A_54 = arith.addi %add3A_22, %add3A_53 : i32
      %dma_start3A_55 = arith.constant 0 : i32
      %dma_start3A_56 = tpu.memref_slice %arg7[%add3A_54, %dma_start3A_55] : memref<126x80xi32, #tpu.memory_space<vmem>> -> memref<1x80xi32, #tpu.memory_space<vmem>>
      %dma_start3A_57 = tpu.memref_squeeze %dma_start3A_56 : memref<1x80xi32, #tpu.memory_space<vmem>> -> memref<80xi32, #tpu.memory_space<vmem>>
      %dma_start3A_58 = arith.constant 0 : i32
      %dma_start3A_59 = arith.constant 0 : i32
      %dma_start3A_60 = tpu.memref_slice %arg10[%dma_start3A_58, %dma_start3A_59] : memref<10240x128xbf16, #tpu.memory_space<vmem_shared>> -> memref<10240x128xbf16, #tpu.memory_space<vmem_shared>>
      tpu.enqueue_indirect_dma source(%arg9 : memref<80x128xbf16, #tpu.memory_space<vmem>>) target(%dma_start3A_60 : memref<10240x128xbf16, #tpu.memory_space<vmem_shared>>) offsets(%dma_start3A_57 : memref<80xi32, #tpu.memory_space<vmem>>) semaphore(%arg14 : memref<!tpu.dma_semaphore, #tpu.memory_space<semaphore_mem>>) {add = true}
      %dma_wait3A_61 = arith.constant 0 : i32
      %dma_wait3A_62 = arith.constant 0 : i32
      %dma_wait3A_63 = tpu.memref_slice %arg7[%dma_wait3A_61, %dma_wait3A_62] : memref<126x80xi32, #tpu.memory_space<vmem>> -> memref<1x80xi32, #tpu.memory_space<vmem>>
      %dma_wait3A_64 = tpu.memref_squeeze %dma_wait3A_63 : memref<1x80xi32, #tpu.memory_space<vmem>> -> memref<80xi32, #tpu.memory_space<vmem>>
      %dma_wait3A_65 = arith.constant 0 : i32
      %dma_wait3A_66 = arith.constant 0 : i32
      %dma_wait3A_67 = tpu.memref_slice %arg10[%dma_wait3A_65, %dma_wait3A_66] : memref<10240x128xbf16, #tpu.memory_space<vmem_shared>> -> memref<10240x128xbf16, #tpu.memory_space<vmem_shared>>
      tpu.wait_indirect_dma semaphore(%arg13 : memref<!tpu.dma_semaphore, #tpu.memory_space<semaphore_mem>>) src(%arg8 : memref<80x128xbf16, #tpu.memory_space<vmem>>) dst(%dma_wait3A_67 : memref<10240x128xbf16, #tpu.memory_space<vmem_shared>>)
      %add3A_68 = arith.constant 2 : i32
      %add3A_69 = arith.addi %add3A_22, %add3A_68 : i32
      %lt3A = arith.constant 126 : i32
      %lt3A_70 = arith.cmpi slt, %add3A_69, %lt3A : i32
      %convert_element_type3A_71 = arith.extui %lt3A_70 : i1 to i32
      %cond3A_72 = arith.constant 0 : i32
      %cond3A_73 = arith.cmpi ne, %convert_element_type3A_71, %cond3A_72 : i32
      scf.if %cond3A_73 {
        %add3A_74 = arith.constant 2 : i32
        %add3A_75 = arith.addi %add3A_22, %add3A_74 : i32
        %dma_start3A_76 = arith.constant 0 : i32
        %dma_start3A_77 = tpu.memref_slice %arg6[%add3A_75, %dma_start3A_76] : memref<126x80xi32, #tpu.memory_space<vmem>> -> memref<1x80xi32, #tpu.memory_space<vmem>>
        %dma_start3A_78 = tpu.memref_squeeze %dma_start3A_77 : memref<1x80xi32, #tpu.memory_space<vmem>> -> memref<80xi32, #tpu.memory_space<vmem>>
        %dma_start3A_79 = arith.constant 0 : i32
        %dma_start3A_80 = arith.constant 0 : i32
        %dma_start3A_81 = tpu.memref_slice %arg2[%dma_start3A_79, %dma_start3A_80] : memref<10240x128xbf16, #tpu.memory_space<hbm>> -> memref<10240x128xbf16, #tpu.memory_space<hbm>>
        tpu.enqueue_indirect_dma source(%dma_start3A_81 : memref<10240x128xbf16, #tpu.memory_space<hbm>>) target(%arg8 : memref<80x128xbf16, #tpu.memory_space<vmem>>) offsets(%dma_start3A_78 : memref<80xi32, #tpu.memory_space<vmem>>) semaphore(%arg11 : memref<!tpu.dma_semaphore, #tpu.memory_space<semaphore_mem>>)
      } else {
      }
    }
    %scan3A_11 = arith.constant 63 : i32
    %dma_wait3A = arith.constant 0 : i32
    %dma_wait3A_12 = arith.constant 0 : i32
    %dma_wait3A_13 = tpu.memref_slice %arg7[%dma_wait3A, %dma_wait3A_12] : memref<126x80xi32, #tpu.memory_space<vmem>> -> memref<1x80xi32, #tpu.memory_space<vmem>>
    %dma_wait3A_14 = tpu.memref_squeeze %dma_wait3A_13 : memref<1x80xi32, #tpu.memory_space<vmem>> -> memref<80xi32, #tpu.memory_space<vmem>>
    %dma_wait3A_15 = arith.constant 0 : i32
    %dma_wait3A_16 = arith.constant 0 : i32
    %dma_wait3A_17 = tpu.memref_slice %arg10[%dma_wait3A_15, %dma_wait3A_16] : memref<10240x128xbf16, #tpu.memory_space<vmem_shared>> -> memref<10240x128xbf16, #tpu.memory_space<vmem_shared>>
    tpu.wait_indirect_dma semaphore(%arg14 : memref<!tpu.dma_semaphore, #tpu.memory_space<semaphore_mem>>) src(%arg9 : memref<80x128xbf16, #tpu.memory_space<vmem>>) dst(%dma_wait3A_17 : memref<10240x128xbf16, #tpu.memory_space<vmem_shared>>)
    %barrier3A_18 = arith.constant 0 : index
    tpu.barrier barrier_id(%barrier3A_18)
    "tpu.region"() ({
      %run_scoped3A_19 = tpu.sem_alloc : memref<!tpu.dma_semaphore, #tpu.memory_space<semaphore_mem>>
      %dma_start3A_20 = arith.constant 0 : i32
      %dma_start3A_21 = tpu.memref_slice %arg5[%arg0, %mul3A_0, %dma_start3A_20] : memref<2x10240x128xbf16, #tpu.memory_space<hbm>> -> memref<1x640x128xbf16, #tpu.memory_space<hbm>>
      %dma_start3A_22 = tpu.memref_squeeze %dma_start3A_21 : memref<1x640x128xbf16, #tpu.memory_space<hbm>> -> memref<640x128xbf16, #tpu.memory_space<hbm>>
      %dma_start3A_23 = arith.constant 0 : i32
      %dma_start3A_24 = tpu.memref_slice %arg10[%mul3A_0, %dma_start3A_23] : memref<10240x128xbf16, #tpu.memory_space<vmem_shared>> -> memref<640x128xbf16, #tpu.memory_space<vmem_shared>>
      tpu.enqueue_dma source(%dma_start3A_24 : memref<640x128xbf16, #tpu.memory_space<vmem_shared>>) target(%dma_start3A_22 : memref<640x128xbf16, #tpu.memory_space<hbm>>) target_semaphore(%run_scoped3A_19 : memref<!tpu.dma_semaphore, #tpu.memory_space<semaphore_mem>>)
      %dma_wait3A_25 = arith.constant 0 : i32
      %dma_wait3A_26 = tpu.memref_slice %arg5[%arg0, %mul3A_0, %dma_wait3A_25] : memref<2x10240x128xbf16, #tpu.memory_space<hbm>> -> memref<1x640x128xbf16, #tpu.memory_space<hbm>>
      %dma_wait3A_27 = tpu.memref_squeeze %dma_wait3A_26 : memref<1x640x128xbf16, #tpu.memory_space<hbm>> -> memref<640x128xbf16, #tpu.memory_space<hbm>>
      %dma_wait3A_28 = arith.constant 0 : i32
      %dma_wait3A_29 = tpu.memref_slice %arg10[%mul3A_0, %dma_wait3A_28] : memref<10240x128xbf16, #tpu.memory_space<vmem_shared>> -> memref<640x128xbf16, #tpu.memory_space<vmem_shared>>
      tpu.wait_dma2 semaphore(%run_scoped3A_19 : memref<!tpu.dma_semaphore, #tpu.memory_space<semaphore_mem>>) src(%dma_wait3A_29 : memref<640x128xbf16, #tpu.memory_space<vmem_shared>>) dst(%dma_wait3A_27 : memref<640x128xbf16, #tpu.memory_space<hbm>>)
      tpu.yield
    }) : () -> ()
    return
  }
}

module attributes {stable_mosaic.version = 14 : i64} {
  func.func @_tc_first_body(%arg0: memref<10240x128xf32, #tpu.memory_space<vmem>>, %arg1: memref<10240x1xf32, #tpu.memory_space<vmem>>, %arg2: memref<128x128xf32, #tpu.memory_space<vmem>>, %arg3: memref<10240x128xbf16, #tpu.memory_space<vmem>>) attributes {dimension_semantics = [], scalar_prefetch = 0 : i64, scratch_operands = 0 : i64, tpu.core_type = #tpu.core_type<tc>} {
    %get3A = arith.constant 0 : index
    %get3A_0 = arith.constant 0 : index
    %get3A_1 = vector.load %arg1[%get3A, %get3A_0] : memref<10240x1xf32, #tpu.memory_space<vmem>>, vector<10240x1xf32>
    %gt3A = arith.constant 0.000000e+00 : f32
    %gt3A_2 = vector.broadcast %gt3A : f32 to vector<10240x1xf32>
    %gt3A_3 = arith.cmpf ogt, %get3A_1, %gt3A_2 : vector<10240x1xf32>
    %max3A = arith.constant 1.000000e+00 : f32
    %max3A_4 = vector.broadcast %max3A : f32 to vector<10240x1xf32>
    %max3A_5 = arith.maximumf %get3A_1, %max3A_4 : vector<10240x1xf32>
    %rsqrt3A = math.rsqrt %max3A_5 : vector<10240x1xf32>
    %jit3A = arith.constant 0.000000e+00 : f32
    %broadcast_in_dim3A = vector.broadcast %jit3A : f32 to vector<10240x1xf32>
    %select_n3A = arith.select %gt3A_3, %rsqrt3A, %broadcast_in_dim3A : vector<10240x1xi1>, vector<10240x1xf32>
    %get3A_6 = arith.constant 0 : index
    %get3A_7 = arith.constant 0 : index
    %get3A_8 = vector.load %arg0[%get3A_6, %get3A_7] : memref<10240x128xf32, #tpu.memory_space<vmem>>, vector<10240x128xf32>
    %mul3A = vector.broadcast %select_n3A : vector<10240x1xf32> to vector<10240x128xf32>
    %mul3A_9 = arith.mulf %get3A_8, %mul3A : vector<10240x128xf32>
    %get3A_10 = arith.constant 0 : index
    %get3A_11 = arith.constant 0 : index
    %get3A_12 = vector.load %arg2[%get3A_10, %get3A_11] : memref<128x128xf32, #tpu.memory_space<vmem>>, vector<128x128xf32>
    %dot_general3A = arith.constant dense<0.000000e+00> : vector<10240x128xf32>
    %dot_general3A_13 = tpu.matmul %mul3A_9, %get3A_12, %dot_general3A {dimension_numbers = #tpu.dot_dimension_numbers<[1], [0], [0], [1], [0, 0, 1, 1], [], []>, transpose_lhs_hint = false} : vector<10240x128xf32>, vector<128x128xf32>, vector<10240x128xf32> -> vector<10240x128xf32>
    %convert_element_type3A = arith.truncf %dot_general3A_13 : vector<10240x128xf32> to vector<10240x128xbf16>
    %swap3A = arith.constant 0 : index
    %swap3A_14 = arith.constant 0 : index
    %swap3A_15 = vector.load %arg3[%swap3A, %swap3A_14] : memref<10240x128xbf16, #tpu.memory_space<vmem>>, vector<10240x128xbf16>
    tpu.vector_store %arg3[%swap3A, %swap3A_14], %convert_element_type3A {strides = array<i32>} : memref<10240x128xbf16, #tpu.memory_space<vmem>>, vector<10240x128xbf16>,
    return
  }
}

module attributes {stable_mosaic.version = 14 : i64} {
  func.func @_tc_mid_body(%arg0: memref<2x10240x128xbf16, #tpu.memory_space<vmem>>, %arg1: memref<10240x1xf32, #tpu.memory_space<vmem>>, %arg2: memref<10240x1xf32, #tpu.memory_space<vmem>>, %arg3: memref<1x128xf32, #tpu.memory_space<vmem>>, %arg4: memref<128x128xf32, #tpu.memory_space<vmem>>, %arg5: memref<10240x128xbf16, #tpu.memory_space<vmem>>) attributes {dimension_semantics = [], scalar_prefetch = 0 : i64, scratch_operands = 0 : i64, tpu.core_type = #tpu.core_type<tc>} {
    %get3A = arith.constant 0 : index
    %get3A_0 = arith.constant 0 : index
    %get3A_1 = vector.load %arg1[%get3A, %get3A_0] : memref<10240x1xf32, #tpu.memory_space<vmem>>, vector<10240x1xf32>
    %gt3A = arith.constant 0.000000e+00 : f32
    %gt3A_2 = vector.broadcast %gt3A : f32 to vector<10240x1xf32>
    %gt3A_3 = arith.cmpf ogt, %get3A_1, %gt3A_2 : vector<10240x1xf32>
    %max3A = arith.constant 1.000000e+00 : f32
    %max3A_4 = vector.broadcast %max3A : f32 to vector<10240x1xf32>
    %max3A_5 = arith.maximumf %get3A_1, %max3A_4 : vector<10240x1xf32>
    %rsqrt3A = math.rsqrt %max3A_5 : vector<10240x1xf32>
    %jit3A = arith.constant 0.000000e+00 : f32
    %broadcast_in_dim3A = vector.broadcast %jit3A : f32 to vector<10240x1xf32>
    %select_n3A = arith.select %gt3A_3, %rsqrt3A, %broadcast_in_dim3A : vector<10240x1xi1>, vector<10240x1xf32>
    %get3A_6 = arith.constant 0 : index
    %get3A_7 = arith.constant 0 : index
    %get3A_8 = vector.load %arg2[%get3A_6, %get3A_7] : memref<10240x1xf32, #tpu.memory_space<vmem>>, vector<10240x1xf32>
    %gt3A_9 = arith.constant 0.000000e+00 : f32
    %gt3A_10 = vector.broadcast %gt3A_9 : f32 to vector<10240x1xf32>
    %gt3A_11 = arith.cmpf ogt, %get3A_8, %gt3A_10 : vector<10240x1xf32>
    %max3A_12 = arith.constant 1.000000e+00 : f32
    %max3A_13 = vector.broadcast %max3A_12 : f32 to vector<10240x1xf32>
    %max3A_14 = arith.maximumf %get3A_8, %max3A_13 : vector<10240x1xf32>
    %rsqrt3A_15 = math.rsqrt %max3A_14 : vector<10240x1xf32>
    %jit3A_16 = arith.constant 0.000000e+00 : f32
    %broadcast_in_dim3A_17 = vector.broadcast %jit3A_16 : f32 to vector<10240x1xf32>
    %select_n3A_18 = arith.select %gt3A_11, %rsqrt3A_15, %broadcast_in_dim3A_17 : vector<10240x1xi1>, vector<10240x1xf32>
    %get3A_19 = arith.constant 0 : index
    %get3A_20 = arith.constant 0 : index
    %get3A_21 = arith.constant 0 : index
    %get3A_22 = vector.load %arg0[%get3A_19, %get3A_20, %get3A_21] : memref<2x10240x128xbf16, #tpu.memory_space<vmem>>, vector<1x10240x128xbf16>
    %get3A_23 = vector.shape_cast %get3A_22 : vector<1x10240x128xbf16> to vector<10240x128xbf16>
    %convert_element_type3A = arith.extf %get3A_23 : vector<10240x128xbf16> to vector<10240x128xf32>
    %get3A_24 = arith.constant 1 : index
    %get3A_25 = arith.constant 0 : index
    %get3A_26 = arith.constant 0 : index
    %get3A_27 = vector.load %arg0[%get3A_24, %get3A_25, %get3A_26] : memref<2x10240x128xbf16, #tpu.memory_space<vmem>>, vector<1x10240x128xbf16>
    %get3A_28 = vector.shape_cast %get3A_27 : vector<1x10240x128xbf16> to vector<10240x128xbf16>
    %convert_element_type3A_29 = arith.extf %get3A_28 : vector<10240x128xbf16> to vector<10240x128xf32>
    %add3A = arith.addf %convert_element_type3A, %convert_element_type3A_29 : vector<10240x128xf32>
    %mul3A = vector.broadcast %select_n3A : vector<10240x1xf32> to vector<10240x128xf32>
    %mul3A_30 = arith.mulf %add3A, %mul3A : vector<10240x128xf32>
    %get3A_31 = arith.constant 0 : index
    %get3A_32 = arith.constant 0 : index
    %get3A_33 = vector.load %arg3[%get3A_31, %get3A_32] : memref<1x128xf32, #tpu.memory_space<vmem>>, vector<1x128xf32>
    %add3A_34 = vector.broadcast %get3A_33 : vector<1x128xf32> to vector<10240x128xf32>
    %add3A_35 = arith.addf %mul3A_30, %add3A_34 : vector<10240x128xf32>
    %max3A_36 = arith.constant 0.000000e+00 : f32
    %max3A_37 = vector.broadcast %max3A_36 : f32 to vector<10240x128xf32>
    %max3A_38 = arith.maximumf %add3A_35, %max3A_37 : vector<10240x128xf32>
    %mul3A_39 = vector.broadcast %select_n3A_18 : vector<10240x1xf32> to vector<10240x128xf32>
    %mul3A_40 = arith.mulf %max3A_38, %mul3A_39 : vector<10240x128xf32>
    %get3A_41 = arith.constant 0 : index
    %get3A_42 = arith.constant 0 : index
    %get3A_43 = vector.load %arg4[%get3A_41, %get3A_42] : memref<128x128xf32, #tpu.memory_space<vmem>>, vector<128x128xf32>
    %dot_general3A = arith.constant dense<0.000000e+00> : vector<10240x128xf32>
    %dot_general3A_44 = tpu.matmul %mul3A_40, %get3A_43, %dot_general3A {dimension_numbers = #tpu.dot_dimension_numbers<[1], [0], [0], [1], [0, 0, 1, 1], [], []>, transpose_lhs_hint = false} : vector<10240x128xf32>, vector<128x128xf32>, vector<10240x128xf32> -> vector<10240x128xf32>
    %convert_element_type3A_45 = arith.truncf %dot_general3A_44 : vector<10240x128xf32> to vector<10240x128xbf16>
    %swap3A = arith.constant 0 : index
    %swap3A_46 = arith.constant 0 : index
    %swap3A_47 = vector.load %arg5[%swap3A, %swap3A_46] : memref<10240x128xbf16, #tpu.memory_space<vmem>>, vector<10240x128xbf16>
    tpu.vector_store %arg5[%swap3A, %swap3A_46], %convert_element_type3A_45 {strides = array<i32>} : memref<10240x128xbf16, #tpu.memory_space<vmem>>, vector<10240x128xbf16>,
    return
  }
}

module attributes {stable_mosaic.version = 14 : i64} {
  func.func @_tc_last_body(%arg0: memref<2x10240x128xbf16, #tpu.memory_space<vmem>>, %arg1: memref<10240x1xf32, #tpu.memory_space<vmem>>, %arg2: memref<1x128xf32, #tpu.memory_space<vmem>>, %arg3: memref<10240x128xf32, #tpu.memory_space<vmem>>) attributes {dimension_semantics = [], scalar_prefetch = 0 : i64, scratch_operands = 0 : i64, tpu.core_type = #tpu.core_type<tc>} {
    %get3A = arith.constant 0 : index
    %get3A_0 = arith.constant 0 : index
    %get3A_1 = vector.load %arg1[%get3A, %get3A_0] : memref<10240x1xf32, #tpu.memory_space<vmem>>, vector<10240x1xf32>
    %gt3A = arith.constant 0.000000e+00 : f32
    %gt3A_2 = vector.broadcast %gt3A : f32 to vector<10240x1xf32>
    %gt3A_3 = arith.cmpf ogt, %get3A_1, %gt3A_2 : vector<10240x1xf32>
    %max3A = arith.constant 1.000000e+00 : f32
    %max3A_4 = vector.broadcast %max3A : f32 to vector<10240x1xf32>
    %max3A_5 = arith.maximumf %get3A_1, %max3A_4 : vector<10240x1xf32>
    %rsqrt3A = math.rsqrt %max3A_5 : vector<10240x1xf32>
    %jit3A = arith.constant 0.000000e+00 : f32
    %broadcast_in_dim3A = vector.broadcast %jit3A : f32 to vector<10240x1xf32>
    %select_n3A = arith.select %gt3A_3, %rsqrt3A, %broadcast_in_dim3A : vector<10240x1xi1>, vector<10240x1xf32>
    %get3A_6 = arith.constant 0 : index
    %get3A_7 = arith.constant 0 : index
    %get3A_8 = arith.constant 0 : index
    %get3A_9 = vector.load %arg0[%get3A_6, %get3A_7, %get3A_8] : memref<2x10240x128xbf16, #tpu.memory_space<vmem>>, vector<1x10240x128xbf16>
    %get3A_10 = vector.shape_cast %get3A_9 : vector<1x10240x128xbf16> to vector<10240x128xbf16>
    %convert_element_type3A = arith.extf %get3A_10 : vector<10240x128xbf16> to vector<10240x128xf32>
    %get3A_11 = arith.constant 1 : index
    %get3A_12 = arith.constant 0 : index
    %get3A_13 = arith.constant 0 : index
    %get3A_14 = vector.load %arg0[%get3A_11, %get3A_12, %get3A_13] : memref<2x10240x128xbf16, #tpu.memory_space<vmem>>, vector<1x10240x128xbf16>
    %get3A_15 = vector.shape_cast %get3A_14 : vector<1x10240x128xbf16> to vector<10240x128xbf16>
    %convert_element_type3A_16 = arith.extf %get3A_15 : vector<10240x128xbf16> to vector<10240x128xf32>
    %add3A = arith.addf %convert_element_type3A, %convert_element_type3A_16 : vector<10240x128xf32>
    %mul3A = vector.broadcast %select_n3A : vector<10240x1xf32> to vector<10240x128xf32>
    %mul3A_17 = arith.mulf %add3A, %mul3A : vector<10240x128xf32>
    %get3A_18 = arith.constant 0 : index
    %get3A_19 = arith.constant 0 : index
    %get3A_20 = vector.load %arg2[%get3A_18, %get3A_19] : memref<1x128xf32, #tpu.memory_space<vmem>>, vector<1x128xf32>
    %add3A_21 = vector.broadcast %get3A_20 : vector<1x128xf32> to vector<10240x128xf32>
    %add3A_22 = arith.addf %mul3A_17, %add3A_21 : vector<10240x128xf32>
    %reduce_max3A = arith.constant dense<0xFF800000> : vector<10240xf32>
    %reduce_max3A_23 = vector.multi_reduction <maximumf>, %add3A_22, %reduce_max3A [1] : vector<10240x128xf32> to vector<10240xf32>
    %broadcast_in_dim3A_24 = vector.shape_cast %reduce_max3A_23 : vector<10240xf32> to vector<10240x1xf32>
    %sub3A = vector.broadcast %broadcast_in_dim3A_24 : vector<10240x1xf32> to vector<10240x128xf32>
    %sub3A_25 = arith.subf %add3A_22, %sub3A : vector<10240x128xf32>
    %exp3A = math.exp %sub3A_25 : vector<10240x128xf32>
    %reduce_sum3A = arith.constant dense<0.000000e+00> : vector<10240xf32>
    %reduce_sum3A_26 = vector.multi_reduction <add>, %exp3A, %reduce_sum3A [1] : vector<10240x128xf32> to vector<10240xf32>
    %broadcast_in_dim3A_27 = vector.shape_cast %reduce_sum3A_26 : vector<10240xf32> to vector<10240x1xf32>
    %log3A = math.log %broadcast_in_dim3A_27 : vector<10240x1xf32>
    %add3A_28 = arith.addf %log3A, %broadcast_in_dim3A_24 : vector<10240x1xf32>
    %sub3A_29 = vector.broadcast %add3A_28 : vector<10240x1xf32> to vector<10240x128xf32>
    %sub3A_30 = arith.subf %add3A_22, %sub3A_29 : vector<10240x128xf32>
    %swap3A = arith.constant 0 : index
    %swap3A_31 = arith.constant 0 : index
    %swap3A_32 = vector.load %arg3[%swap3A, %swap3A_31] : memref<10240x128xf32, #tpu.memory_space<vmem>>, vector<10240x128xf32>
    tpu.vector_store %arg3[%swap3A, %swap3A_31], %sub3A_30 {strides = array<i32>} : memref<10240x128xf32, #tpu.memory_space<vmem>>, vector<10240x128xf32>,
    return
  }
}

</mosaic_0001>

<sc_bundles>
// kernel: kernel.10.cloned.1.call-start
scs
__scs_entry_jumppad:
0x0: {  	(pc) =	sbr.rel $0x88, $3  }
0x1: {  	(tag) =	ssettag $0x0;
	lr =	simm.s32 $0x1  }
0x2: {  	[smem:$0x3F99] =	sst lr;
	_ =	strace $0xD0000000  }
0x3: {  	_ = 	snop  }
0x4: {  	_ = 	snop  }
0x5: {  	_ = 	snop  }
0x6: {  	_ = 	snop  }
0x7: {  	_ = 	snop  }
__scs_overlays_trampoline_lowered:
0x8: {  	[smem:$0x3FA8] =	sst s0  }
0x9: {  	[smem:$0x3FA9] =	sst s1  }
0xa: {  	[smem:$0x3FAA] =	sst s2  }
0xb: {  	[smem:$0x3FAB] =	sst s3  }
0xc: {  	[smem:$0x3FAC] =	sst s4  }
0xd: {  	[smem:$0x3FAD] =	sst s5  }
0xe: {  	[smem:$0x3FAE] =	sst s6  }
0xf: {  	[smem:$0x3FAF] =	sst s7  }
0x10: {  	[smem:$0x3FB0] =	sst s8  }
0x11: {  	[smem:$0x3FB1] =	sst s9;
	s0 =	simm.s32 @!p0 $0x0  }
0x12: {  	s1 =	sld [smem:$0x3F97];
	s0 =	simm.s32 @p0 $0x1  }
0x13: {  	[smem:$0x3FB2] =	sst s0;
	s0 =	simm.s32 @!p1 $0x0  }
0x14: {  	s2 =	sld [smem:$0x3F96];
	s0 =	simm.s32 @p1 $0x1  }
0x15: {  	[smem:$0x3FB3] =	sst s0;
	s0 =	simm.s32 @!p2 $0x0  }
0x16: {  	s3 =	sld [smem:$0x3FDB];
	s0 =	simm.s32 @p2 $0x1  }
0x17: {  	s4 =	simm.s32 $0x1BF5;
	[smem:$0x3FB5] =	sst s0  }
0x18: {  	s0 =	sld [smem:$0x3F98];
	_ =	swait.ge [sflag:s4], $0x0  }
0x19: {  	s7 =	sld [smem:$0x3F99]  }
0x1a: {  	s8 =	sadd.s32 $0xFFFFE003, lr  }
0x1b: {  	s9 =	sadd.s32 $0xFFFFFEF7, lr;
	s5 =	simm.s32 $0xFFFFFFFF;
	p2 =	slt.u32 s8, $0xFFFFF086  }
0x1c: {  	p1 =	slt.u32 s9, $0xF7A;
	s5 =	simm.s32 @!p2 $0x0  }
0x1d: {  	s5 =	simm.s32 @p1 $0x1;
	p0 =	seq.s32 s7, s2  }
0x1e: {  	s7 =	smul.u32 @!p0 $0xF7A, s2;
	p2 =	seq.s32 @!p0 s5, $0x0  }
0x1f: {  	s9 =	smul.u32 $0xF7A, s1;
	s8 =	simm.s32 @!p0 $0x1BF5;
	p2 =	por !p2, p0  }
0x20: {  	[sflag:s8] =	ssyncset.s32 @!p0 $0xFFFFF086;
	s6 =	sadd.s32 @!p0 s3, s7;
	s7 =	simm.s32 @!p0 $0x108  }
0x21: {  	s3 =	sadd.s32 s3, s9;
	s6 =	sadd.s32 @!p0 $0x88, s6;
	s7 =	simm.s32 @p2 $0x1082  }
0x22: {  	[simem:s7], [sflag:s8] =	dma.local @!p0 [hbm:s6], $0xF7A  }
0x23: {  	s9 =	sor.u32 $0xD0000000, s2;
	s6 =	simm.s32 $0x108;
	_ =	swait.ge @!p0 [sflag:s8], $0x0  }
0x24: {  	s3 =	sadd.s32 $0x88, s3;
	s6 =	simm.s32 @!p1 $0x1082;
	[sflag:s4] =	ssyncset.s32 $0xFFFFF086  }
0x25: {  	[simem:s6], [sflag:s4] =	dma.local [hbm:s3], $0xF7A  }
0x26: {  	[smem:$0x3F99] =	sst s1;
	(tag) =	ssettag s2;
	_ =	strace s9  }
0x27: {  	s1 =	sld [smem:$0x3FA9]  }
0x28: {  	s2 =	sld [smem:$0x3FAA]  }
0x29: {  	s4 =	sld [smem:$0x3FAC]  }
0x2a: {  	p0 =	seq.s32 s5, $0x0;
	s5 =	sld [smem:$0x3FAD]  }
0x2b: {  	s6 =	sld [smem:$0x3FAE]  }
0x2c: {  	s7 =	sld [smem:$0x3FAF]  }
0x2d: {  	s3 =	simm.s32 $0x108;
	s8 =	sld [smem:$0x3FB0]  }
0x2e: {  	s3 =	simm.s32 @!p0 $0x1082;
	s9 =	sld [smem:$0x3FB1]  }
0x2f: {  	lr =	sadd.s32 s0, s3;
	s0 =	sld [smem:$0x3FA8]  }
0x30: {  	s3 =	sld [smem:$0x3FAB]  }
0x31: {  	[smem:$0x3FB4] =	sst s10  }
0x32: {  	s10 =	sld [smem:$0x3FB2];
	_ =	sdelay $0x3  }
0x33: {  	p0 =	seq.s32 s10, $0x1;
	s10 =	sld [smem:$0x3FB4];
	_ =	sdelay $0x3  }
0x34: {  	[smem:$0x3FB4] =	sst s10  }
0x35: {  	s10 =	sld [smem:$0x3FB3];
	_ =	sdelay $0x3  }
0x36: {  	p1 =	seq.s32 s10, $0x1;
	s10 =	sld [smem:$0x3FB4];
	_ =	sdelay $0x3  }
0x37: {  	[smem:$0x3FB4] =	sst s10  }
0x38: {  	s10 =	sld [smem:$0x3FB5]  }
0x39: {  	_ = 	snop;
	(pc) =	sbr.ind lr, $3  }
0x3a: {  	_ = 	snop  }
0x3b: {  	_ = 	snop  }
0x3c: {  	p2 =	seq.s32 s10, $0x1;
	s10 =	sld [smem:$0x3FB4]  }
0x3d: {  	_ =	shalt  }
0x3e: {  	_ =	shalt  }
0x3f: {  	_ =	shalt  }
0x40: {  	_ =	shalt  }
0x41: {  	_ =	shalt  }
0x42: {  	_ =	shalt  }
0x43: {  	_ =	shalt  }
0x44: {  	_ =	shalt  }
0x45: {  	_ =	shalt  }
0x46: {  	_ =	shalt  }
0x47: {  	_ =	shalt  }
0x48: {  	_ =	shalt  }
0x49: {  	_ =	shalt  }
0x4a: {  	_ =	shalt  }
0x4b: {  	_ =	shalt  }
0x4c: {  	_ =	shalt  }
0x4d: {  	_ =	shalt  }
0x4e: {  	_ =	shalt  }
0x4f: {  	_ =	shalt  }
0x50: {  	_ =	shalt  }
0x51: {  	_ =	shalt  }
0x52: {  	_ =	shalt  }
0x53: {  	_ =	shalt  }
0x54: {  	_ =	shalt  }
0x55: {  	_ =	shalt  }
0x56: {  	_ =	shalt  }
0x57: {  	_ =	shalt  }
0x58: {  	_ =	shalt  }
0x59: {  	_ =	shalt  }
0x5a: {  	_ =	shalt  }
0x5b: {  	_ =	shalt  }
0x5c: {  	_ =	shalt  }
0x5d: {  	_ =	shalt  }
0x5e: {  	_ =	shalt  }
0x5f: {  	_ =	shalt  }
0x60: {  	_ =	shalt  }
0x61: {  	_ =	shalt  }
0x62: {  	_ =	shalt  }
0x63: {  	_ =	shalt  }
0x64: {  	_ =	shalt  }
0x65: {  	_ =	shalt  }
0x66: {  	_ =	shalt  }
0x67: {  	_ =	shalt  }
0x68: {  	_ =	shalt  }
0x69: {  	_ =	shalt  }
0x6a: {  	_ =	shalt  }
0x6b: {  	_ =	shalt  }
0x6c: {  	_ =	shalt  }
0x6d: {  	_ =	shalt  }
0x6e: {  	_ =	shalt  }
0x6f: {  	_ =	shalt  }
0x70: {  	_ =	shalt  }
0x71: {  	_ =	shalt  }
0x72: {  	_ =	shalt  }
0x73: {  	_ =	shalt  }
0x74: {  	_ =	shalt  }
0x75: {  	_ =	shalt  }
0x76: {  	_ =	shalt  }
0x77: {  	_ =	shalt  }
0x78: {  	_ =	shalt  }
0x79: {  	_ =	shalt  }
0x7a: {  	_ =	shalt  }
0x7b: {  	_ =	shalt  }
0x7c: {  	_ =	shalt  }
0x7d: {  	_ =	shalt  }
0x7e: {  	_ =	shalt  }
0x7f: {  	_ =	shalt  }
0x80: {  	_ =	shalt  }
0x81: {  	_ =	shalt  }
0x82: {  	_ =	shalt  }
0x83: {  	_ =	shalt  }
0x84: {  	_ =	shalt  }
0x85: {  	_ =	shalt  }
0x86: {  	_ =	shalt  }
0x87: {  	_ =	shalt  }
.Lfunc_end0:
.L_simem_size_0:
called_computation_lowered:
.L_overlay_start_0:
0x88: {  	s2 =	sld [smem:$0x3FD9]  }
0x89: {  	s3 =	sld [smem:$0x3FFE];
	_ =	sdelay $0x1  }
0x8a: {  	s1 =	srdreg.scid  }
0x8b: {  	s0 =	sand.u32 $0x1, s1  }
0x8c: {  	s17 =	sshll.u32 s0, $0xA;
	s2 =	sadd.s32 s3, s2  }
0x8d: {  	s2 =	sadd.s32 s2, s17  }
0x8e: {  	[smem:$0x3FC0] =	sst s2  }
0x8f: {  	_ = 	snop  }
0x90: {  	s2 =	sld [smem:$0x3FD0];
	(tm) =	ssettm $0x1  }
0x91: {  	s18 =	sld [smem:$0x3FFB];
	_ =	sdelay $0x3  }
0x92: {  	_ =	strace s18  }
0x93: {  	s3 =	sld [smem:$0x3FFC];
	_ =	sdelay $0x3  }
0x94: {  	_ =	strace s3  }
0x95: {  	s3 =	sld [smem:$0x3FFD];
	_ =	sdelay $0x3  }
0x96: {  	_ =	strace s3  }
0x97: {  	_ =	strace $0x8FFFFFFF  }
0x98: {  	s19 =	sld [smem:$0x3FDB];
	_ =	sdelay $0x1  }
0x99: {  	s4 =	simm.s32 $_scs_section_size  }
0x9a: {  	s5 =	simm.s32 $_size__tile_overlayer_lowered;
	s6 =	simm.s32 $_tile_overlayer_lowered  }
0x9b: {  	s22 =	simm.s32 $0x1BFF;
	s21 =	sshll.u32 s6, $0x1;
	s3 =	sadd.s32 s4, s19  }
0x9c: {  	s7 =	simm.s32 $0x0;
	s20 =	sshll.u32 s5, $0x1;
	s5 =	sadd.s32 s21, s3  }
0x9d: {  	[timem:s7], [sflag:s22] =	dma.local [hbm:s5], s20  }
0x9e: {  	_ =	swait.ge [sflag:s22], s20  }
0x9f: {  	s4 =	ssub.s32 $0x0, s20;
	[sflag:s22] =	ssyncset.done $0x0  }
0xa0: {  	[sflag:s22] =	ssyncadd.s32 s4;
	_ =	sdelay $0x1  }
0xa1: {  	s23 =	simm.s32 $0x1B8B  }
0xa2: {  	_ =	swait.ge [sflag:s23], $0x1  }
0xa3: {  	[sflag:s23] =	ssyncset.done $0x0  }
0xa4: {  	s25 =	simm.s32 $0x1B8E;
	s24 =	sld [smem:$0x3FFE];
	[sflag:s23] =	ssyncadd.s32 $0xFFFFFFFF  }
0xa5: {  	s26 =	simm.s32 $execute0_lowered;
	[smem:$0x3FD2] =	sst s25  }
0xa6: {  	s5 =	sshll.u32 s26, $0x1;
	_ =	strace $0x80000046;
	[dreg:$0x1] =	wrdreg $0xFFFFFFFF  }
0xa7: {  	s28 =	simm.s32 $_size_execute0_lowered;
	s3 =	sadd.s32 s3, s5;
	[dreg:$0x0] =	wrdreg $0x0  }
0xa8: {  	s5 =	sshll.u32 s28, $0x1;
	[dreg:$0x2] =	wrdreg s3  }
0xa9: {  	[dreg:$0x3] =	wrdreg s5  }
0xaa: {  	[dreg:$0x4] =	wrdreg $0xC0  }
0xab: {  	_ =	task [dreg:s7], $0x5FFFF  }
0xac: {  	[dreg:$0x1] =	wrdreg $0xFFFFFFFF  }
0xad: {  	[dreg:$0x0] =	wrdreg $0x60  }
0xae: {  	[dreg:$0x2] =	wrdreg s2  }
0xaf: {  	[dreg:$0x3] =	wrdreg s24  }
0xb0: {  	[dreg:$0x4] =	wrdreg $0x50A00  }
0xb1: {  	[dreg:$0x5] =	wrdreg $0x9  }
0xb2: {  	_ =	task.clear_ibuf [dreg:s7], $0x6FFFF;
	_ =	strace $0x90000046  }
0xb3: {  	s29 =	simm.s32 $0x9;
	_ =	strace $0x80000048  }
0xb4: {  	_ =	swait.ge [sflag:s29], $0x1  }
0xb5: {  	[sflag:s29] =	ssyncadd.s32 $0xFFFFFFFF  }
0xb6: {  	_ =	strace $0x90000048  }
0xb7: {  	_ =	sfence  }
0xb8: {  	s30 =	sld [smem:$0x0];
	_ =	sdelay $0x2  }
0xb9: {  	s31 =	sshll.u32 s1, $0xD;
	s1 =	sshrl.u32 s1, $0x2  }
0xba: {  	s3 =	sand.u32 $0x4000, s31;
	s1 =	sadd.s32 s1, s30  }
0xbb: {  	s0 =	sor.u32 s3, s0;
	s1 =	sshll.u32 s1, $0x11  }
0xbc: {  	s0 =	sor.u32 s1, s0  }
0xbd: {  	s0 =	sadd.s32 $0x8F2B, s0  }
0xbe: {  	[sflag:s0] =	ssyncadd.remote.s32 $0x1  }
0xbf: {  	_ =	sfence.sel $0xFFFF  }
0xc0: {  	[dreg:$0x0] =	wrdreg $0xFFFFFFFF;
	(pc) =	sbr.abs _section_cstart, $3  }
0xc1: {  	[dreg:$0x1] =	wrdreg $0xFFFFFFFF  }
0xc2: {  	_ =	task.clear_ibuf [dreg:s7], $0x2FFFF;
	_ =	strace $0x9FFFFFFF  }
0xc3: {  	(tm) =	ssettm $0x7FFFFFFF  }
tec
execute0_lowered:
.L_overlay_start_1:
0x0: {  	(tag) =	ssettag $0x1  }
0x1: {  	s6 =	rddreg [dreg:$0x0]  }
0x2: {  	s7 =	rddreg [dreg:$0x1];
	s1 =	srdreg.scid  }
0x3: {  	s0 =	stileid.u32;
	s2 =	rddreg [dreg:$0x2]  }
0x4: {  	s3 =	simm.s32 $0x0;
	s13 =	simm.s32 $0x50;
	s14 =	simm.s32 $0x0  }
0x5: {  	s8 =	sand.u32 $0x1, s1;
	s9 =	smul.u32 $0x1400, s0;
	s1 =	rddreg [dreg:$0x3]  }
0x6: {  	[smem:$0x7FF] =	sst s3;
	s12 =	smul.u32 $0x4E20, s0;
	s4 =	sadd.s32 $0x2400, s7  }
0x7: {  	s5 =	sadd.s32 $0x2600, s7;
	s31 =	sshll.u32 s0, $0x6;
	s10 =	smul.u32 $0x14000, s8  }
0x8: {  	s11 =	smul.u32 $0x4E200, s8;
	_ =	strace $0x80000047;
	s8 =	ssub.s32 $0x2, s8  }
0x9: {  	s29 =	sshrl.u32 s8, $0x1;
	s30 =	sadd.s32 s9, s2;
	s10 =	sadd.s32 s9, s10  }
0xa: {  	s11 =	sadd.s32 s12, s11;
	s8 =	ssub.s32 s8, s29;
	s9 =	simm.s32 $0x1  }
0xb: {  	s12 =	sshrl.u32 s30, $0x3;
	s10 =	sshrl.u32 s10, $0x3;
	s11 =	sshrl.u32 s11, $0x3  }
0xc: {  	s8 =	smax.u32 s8, $0x1;
	s7 =	sadd.s32 s10, s7;
	s6 =	sadd.s32 s6, s11  }
0xd: {  	s10 =	simm.s32 $0x4E20;
	s11 =	sor.u32 $0x1C01, s31;
	s7 =	sadd.s32 $0x2A00, s7  }
.LBB2_1:
0xe: {  	[tilespmem:s3], [sflag:$0x1] =	stream.linear.gather [hbm4b:s6+s3], $0x4E20, $0x38;
	[tilespmem:$0x64A0] =	vst v63  }
0xf: {  	_ =	swait.ge [sflag:s9], $0x4E20  }
0x10: {  	[sflag:s9] =	ssyncset.done $0x0  }
0x11: {  	[sflag:s9] =	ssyncadd.s32 $0xFFFFB1E0  }
0x12: {  	[tilespmem:s10], [sflag:$0x1] =	stream.linear.gather [hbm4b:s4+s3], $0x280, $0x38;
	[tilespmem:$0x64A0] =	vst v63  }
0x13: {  	_ =	swait.ge [sflag:s9], $0x280  }
0x14: {  	[sflag:s9] =	ssyncset.done $0x0  }
0x15: {  	[sflag:s9] =	ssyncadd.s32 $0xFFFFFD80  }
0x16: {  	[spmem:s12], [sflag:s11] =	dma.local [hbm:s5], $0x280  }
0x17: {  	_ =	swait.ge [sflag:s9], $0x280  }
0x18: {  	[sflag:s9] =	ssyncset.done $0x0  }
0x19: {  	[sflag:s9] =	ssyncadd.s32 $0xFFFFFD80  }
0x1a: {  	s15 =	simm.s32 $0x0;
	[bflag:$0x0] =	sbarrier.arrive $0xFFFF  }
0x1b: {  	[spmem:s2] =	stream.indirect.scatter.add.f32 [tilespmem:s10], [sflag:$0x1], $0x8, s15, s13, $0xb8;
	[tilespmem:$0x64A0] =	vst v63  }
0x1c: {  	_ =	swait.ge [sflag:s9], $0x280  }
0x1d: {  	s15 =	simm.s32 $0x140;
	[sflag:s9] =	ssyncset.done $0x0  }
.LBB2_2:
0x1e: {  	s16 =	sshra.s32 s15, $0x2;
	[sflag:s9] =	ssyncadd.s32 $0xFFFFFD80;
	p0 =	sne.s32 s15, $0x13740  }
0x1f: {  	[spmem:s2] =	stream.indirect.scatter.add.f32 [tilespmem:s10], [sflag:$0x1], $0x8, s16, s13, $0xb8;
	[tilespmem:$0x64A0] =	vst v63  }
.Ltmp0:
0x20: {  	_ = 	snop;
	(pc) =	sbr.rel @p0 .LBB2_2-.Ltmp0, $4  }
0x21: {  	_ = 	snop  }
0x22: {  	s15 =	sadd.s32 $0x140, s15  }
0x23: {  	_ =	swait.ge [sflag:s9], $0x280  }
0x24: {  	[sflag:s9] =	ssyncset.done $0x0  }
0x25: {  	s14 =	sadd.s32 $0x1, s14  }
0x26: {  	[sflag:s9] =	ssyncadd.s32 $0xFFFFFD80;
	p0 =	sne.s32 s14, s8  }
.Ltmp1:
0x27: {  	[bflag:$0x0] =	sbarrier.arrive $0xFFFF;
	(pc) =	sbr.rel @p0 .LBB2_1-.Ltmp1, $4  }
0x28: {  	[hbm:s7], [sflag:s11] =	dma.local [spmem:s12], $0x280  }
0x29: {  	_ =	swait.ge [sflag:s9], $0x280  }
0x2a: {  	[sflag:s9] =	ssyncset.done $0x0  }
0x2b: {  	[sflag:s9] =	ssyncadd.s32 $0xFFFFFD80  }
0x2c: {  	_ =	sfence.sel $0x180000  }
0x2d: {  	[bflag:$0x0] =	sbarrier.arrive $0xFFFF  }
0x2e: {  	p0 =	sne.s32 s0, $0x0;
	_ =	strace $0x90000047  }
0x2f: {  	s0 =	sadd.s32 @!p0 $0x100000, s1;
	[bflag:$0x2] =	sbarrier.arrive $0xFFFF  }
0x30: {  	[sflag:s0] =	ssyncadd.tile.s32 @!p0 $0x1;
	_ =	shalt  }
.Lfunc_end2:
_tile_overlayer_lowered:
.L_overlay_start_2:
0x31: {  	(tag) =	ssettag $0x2  }
0x32: {  	s0 =	rddreg [dreg:$0x0];
	s2 =	stileid.u32  }
0x33: {  	s1 =	rddreg [dreg:$0x1];
	p0 =	sne.s32 s2, $0x0  }
0x34: {  	s3 =	rddreg [dreg:$0x2];
	[bflag:$0x3] =	sbarrier.arrive $0xFFFF;
	s2 =	simm.s32 @!p0 $0x1C01  }
0x35: {  	[timem:s3], [sflag:s2] =	dma.local @!p0 [hbm:s0], s1  }
0x36: {  	s0 =	simm.s32 @!p0 $0x1  }
0x37: {  	_ =	swait.ge @!p0 [sflag:s0], s1  }
0x38: {  	s1 =	ssub.s32 @!p0 $0x0, s1;
	[sflag:s0] =	ssyncset.done @!p0 $0x0  }
0x39: {  	[sflag:s0] =	ssyncadd.s32 @!p0 s1  }
0x3a: {  	[bflag:$0x3] =	sbarrier.arrive $0xFFFF  }
0x3b: {  	_ =	shalt  }

// kernel: kernel.13.cloned.1.call-start
scs
__scs_entry_jumppad:
0x0: {  	(pc) =	sbr.rel $0x88, $3  }
0x1: {  	(tag) =	ssettag $0x0;
	lr =	simm.s32 $0x1  }
0x2: {  	[smem:$0x3F99] =	sst lr;
	_ =	strace $0xD0000000  }
0x3: {  	_ = 	snop  }
0x4: {  	_ = 	snop  }
0x5: {  	_ = 	snop  }
0x6: {  	_ = 	snop  }
0x7: {  	_ = 	snop  }
__scs_overlays_trampoline_lowered:
0x8: {  	[smem:$0x3FA8] =	sst s0  }
0x9: {  	[smem:$0x3FA9] =	sst s1  }
0xa: {  	[smem:$0x3FAA] =	sst s2  }
0xb: {  	[smem:$0x3FAB] =	sst s3  }
0xc: {  	[smem:$0x3FAC] =	sst s4  }
0xd: {  	[smem:$0x3FAD] =	sst s5  }
0xe: {  	[smem:$0x3FAE] =	sst s6  }
0xf: {  	[smem:$0x3FAF] =	sst s7  }
0x10: {  	[smem:$0x3FB0] =	sst s8  }
0x11: {  	[smem:$0x3FB1] =	sst s9;
	s0 =	simm.s32 @!p0 $0x0  }
0x12: {  	s1 =	sld [smem:$0x3F97];
	s0 =	simm.s32 @p0 $0x1  }
0x13: {  	[smem:$0x3FB2] =	sst s0;
	s0 =	simm.s32 @!p1 $0x0  }
0x14: {  	s2 =	sld [smem:$0x3F96];
	s0 =	simm.s32 @p1 $0x1  }
0x15: {  	[smem:$0x3FB3] =	sst s0;
	s0 =	simm.s32 @!p2 $0x0  }
0x16: {  	s3 =	sld [smem:$0x3FDB];
	s0 =	simm.s32 @p2 $0x1  }
0x17: {  	s4 =	simm.s32 $0x1BF5;
	[smem:$0x3FB5] =	sst s0  }
0x18: {  	s0 =	sld [smem:$0x3F98];
	_ =	swait.ge [sflag:s4], $0x0  }
0x19: {  	s7 =	sld [smem:$0x3F99]  }
0x1a: {  	s8 =	sadd.s32 $0xFFFFE003, lr  }
0x1b: {  	s9 =	sadd.s32 $0xFFFFFEF7, lr;
	s5 =	simm.s32 $0xFFFFFFFF;
	p2 =	slt.u32 s8, $0xFFFFF086  }
0x1c: {  	p1 =	slt.u32 s9, $0xF7A;
	s5 =	simm.s32 @!p2 $0x0  }
0x1d: {  	s5 =	simm.s32 @p1 $0x1;
	p0 =	seq.s32 s7, s2  }
0x1e: {  	s7 =	smul.u32 @!p0 $0xF7A, s2;
	p2 =	seq.s32 @!p0 s5, $0x0  }
0x1f: {  	s9 =	smul.u32 $0xF7A, s1;
	s8 =	simm.s32 @!p0 $0x1BF5;
	p2 =	por !p2, p0  }
0x20: {  	[sflag:s8] =	ssyncset.s32 @!p0 $0xFFFFF086;
	s6 =	sadd.s32 @!p0 s3, s7;
	s7 =	simm.s32 @!p0 $0x108  }
0x21: {  	s3 =	sadd.s32 s3, s9;
	s6 =	sadd.s32 @!p0 $0x88, s6;
	s7 =	simm.s32 @p2 $0x1082  }
0x22: {  	[simem:s7], [sflag:s8] =	dma.local @!p0 [hbm:s6], $0xF7A  }
0x23: {  	s9 =	sor.u32 $0xD0000000, s2;
	s6 =	simm.s32 $0x108;
	_ =	swait.ge @!p0 [sflag:s8], $0x0  }
0x24: {  	s3 =	sadd.s32 $0x88, s3;
	s6 =	simm.s32 @!p1 $0x1082;
	[sflag:s4] =	ssyncset.s32 $0xFFFFF086  }
0x25: {  	[simem:s6], [sflag:s4] =	dma.local [hbm:s3], $0xF7A  }
0x26: {  	[smem:$0x3F99] =	sst s1;
	(tag) =	ssettag s2;
	_ =	strace s9  }
0x27: {  	s1 =	sld [smem:$0x3FA9]  }
0x28: {  	s2 =	sld [smem:$0x3FAA]  }
0x29: {  	s4 =	sld [smem:$0x3FAC]  }
0x2a: {  	p0 =	seq.s32 s5, $0x0;
	s5 =	sld [smem:$0x3FAD]  }
0x2b: {  	s6 =	sld [smem:$0x3FAE]  }
0x2c: {  	s7 =	sld [smem:$0x3FAF]  }
0x2d: {  	s3 =	simm.s32 $0x108;
	s8 =	sld [smem:$0x3FB0]  }
0x2e: {  	s3 =	simm.s32 @!p0 $0x1082;
	s9 =	sld [smem:$0x3FB1]  }
0x2f: {  	lr =	sadd.s32 s0, s3;
	s0 =	sld [smem:$0x3FA8]  }
0x30: {  	s3 =	sld [smem:$0x3FAB]  }
0x31: {  	[smem:$0x3FB4] =	sst s10  }
0x32: {  	s10 =	sld [smem:$0x3FB2];
	_ =	sdelay $0x3  }
0x33: {  	p0 =	seq.s32 s10, $0x1;
	s10 =	sld [smem:$0x3FB4];
	_ =	sdelay $0x3  }
0x34: {  	[smem:$0x3FB4] =	sst s10  }
0x35: {  	s10 =	sld [smem:$0x3FB3];
	_ =	sdelay $0x3  }
0x36: {  	p1 =	seq.s32 s10, $0x1;
	s10 =	sld [smem:$0x3FB4];
	_ =	sdelay $0x3  }
0x37: {  	[smem:$0x3FB4] =	sst s10  }
0x38: {  	s10 =	sld [smem:$0x3FB5]  }
0x39: {  	_ = 	snop;
	(pc) =	sbr.ind lr, $3  }
0x3a: {  	_ = 	snop  }
0x3b: {  	_ = 	snop  }
0x3c: {  	p2 =	seq.s32 s10, $0x1;
	s10 =	sld [smem:$0x3FB4]  }
0x3d: {  	_ =	shalt  }
0x3e: {  	_ =	shalt  }
0x3f: {  	_ =	shalt  }
0x40: {  	_ =	shalt  }
0x41: {  	_ =	shalt  }
0x42: {  	_ =	shalt  }
0x43: {  	_ =	shalt  }
0x44: {  	_ =	shalt  }
0x45: {  	_ =	shalt  }
0x46: {  	_ =	shalt  }
0x47: {  	_ =	shalt  }
0x48: {  	_ =	shalt  }
0x49: {  	_ =	shalt  }
0x4a: {  	_ =	shalt  }
0x4b: {  	_ =	shalt  }
0x4c: {  	_ =	shalt  }
0x4d: {  	_ =	shalt  }
0x4e: {  	_ =	shalt  }
0x4f: {  	_ =	shalt  }
0x50: {  	_ =	shalt  }
0x51: {  	_ =	shalt  }
0x52: {  	_ =	shalt  }
0x53: {  	_ =	shalt  }
0x54: {  	_ =	shalt  }
0x55: {  	_ =	shalt  }
0x56: {  	_ =	shalt  }
0x57: {  	_ =	shalt  }
0x58: {  	_ =	shalt  }
0x59: {  	_ =	shalt  }
0x5a: {  	_ =	shalt  }
0x5b: {  	_ =	shalt  }
0x5c: {  	_ =	shalt  }
0x5d: {  	_ =	shalt  }
0x5e: {  	_ =	shalt  }
0x5f: {  	_ =	shalt  }
0x60: {  	_ =	shalt  }
0x61: {  	_ =	shalt  }
0x62: {  	_ =	shalt  }
0x63: {  	_ =	shalt  }
0x64: {  	_ =	shalt  }
0x65: {  	_ =	shalt  }
0x66: {  	_ =	shalt  }
0x67: {  	_ =	shalt  }
0x68: {  	_ =	shalt  }
0x69: {  	_ =	shalt  }
0x6a: {  	_ =	shalt  }
0x6b: {  	_ =	shalt  }
0x6c: {  	_ =	shalt  }
0x6d: {  	_ =	shalt  }
0x6e: {  	_ =	shalt  }
0x6f: {  	_ =	shalt  }
0x70: {  	_ =	shalt  }
0x71: {  	_ =	shalt  }
0x72: {  	_ =	shalt  }
0x73: {  	_ =	shalt  }
0x74: {  	_ =	shalt  }
0x75: {  	_ =	shalt  }
0x76: {  	_ =	shalt  }
0x77: {  	_ =	shalt  }
0x78: {  	_ =	shalt  }
0x79: {  	_ =	shalt  }
0x7a: {  	_ =	shalt  }
0x7b: {  	_ =	shalt  }
0x7c: {  	_ =	shalt  }
0x7d: {  	_ =	shalt  }
0x7e: {  	_ =	shalt  }
0x7f: {  	_ =	shalt  }
0x80: {  	_ =	shalt  }
0x81: {  	_ =	shalt  }
0x82: {  	_ =	shalt  }
0x83: {  	_ =	shalt  }
0x84: {  	_ =	shalt  }
0x85: {  	_ =	shalt  }
0x86: {  	_ =	shalt  }
0x87: {  	_ =	shalt  }
.Lfunc_end0:
.L_simem_size_0:
called_computation.1_lowered:
.L_overlay_start_0:
0x88: {  	s2 =	sld [smem:$0x3FD9]  }
0x89: {  	s3 =	sld [smem:$0x3FFE];
	_ =	sdelay $0x1  }
0x8a: {  	s1 =	srdreg.scid  }
0x8b: {  	s0 =	sand.u32 $0x1, s1  }
0x8c: {  	s17 =	sshll.u32 s0, $0xA;
	s2 =	sadd.s32 s3, s2  }
0x8d: {  	s2 =	sadd.s32 s2, s17  }
0x8e: {  	[smem:$0x3FC0] =	sst s2  }
0x8f: {  	_ = 	snop  }
0x90: {  	s2 =	sld [smem:$0x3FD0];
	(tm) =	ssettm $0x1  }
0x91: {  	s18 =	sld [smem:$0x3FFB];
	_ =	sdelay $0x3  }
0x92: {  	_ =	strace s18  }
0x93: {  	s3 =	sld [smem:$0x3FFC];
	_ =	sdelay $0x3  }
0x94: {  	_ =	strace s3  }
0x95: {  	s3 =	sld [smem:$0x3FFD];
	_ =	sdelay $0x3  }
0x96: {  	_ =	strace s3  }
0x97: {  	_ =	strace $0x8FFFFFFF  }
0x98: {  	s19 =	sld [smem:$0x3FDB];
	_ =	sdelay $0x1  }
0x99: {  	s4 =	simm.s32 $_scs_section_size  }
0x9a: {  	s5 =	simm.s32 $_size__tile_overlayer_lowered;
	s6 =	simm.s32 $_tile_overlayer_lowered  }
0x9b: {  	s22 =	simm.s32 $0x1BFF;
	s21 =	sshll.u32 s6, $0x1;
	s3 =	sadd.s32 s4, s19  }
0x9c: {  	s7 =	simm.s32 $0x0;
	s20 =	sshll.u32 s5, $0x1;
	s5 =	sadd.s32 s21, s3  }
0x9d: {  	[timem:s7], [sflag:s22] =	dma.local [hbm:s5], s20  }
0x9e: {  	_ =	swait.ge [sflag:s22], s20  }
0x9f: {  	s4 =	ssub.s32 $0x0, s20;
	[sflag:s22] =	ssyncset.done $0x0  }
0xa0: {  	[sflag:s22] =	ssyncadd.s32 s4;
	_ =	sdelay $0x1  }
0xa1: {  	s23 =	simm.s32 $0x1B8B  }
0xa2: {  	_ =	swait.ge [sflag:s23], $0x1  }
0xa3: {  	[sflag:s23] =	ssyncset.done $0x0  }
0xa4: {  	s25 =	simm.s32 $0x1B8E;
	s24 =	sld [smem:$0x3FFE];
	[sflag:s23] =	ssyncadd.s32 $0xFFFFFFFF  }
0xa5: {  	s26 =	simm.s32 $execute0_lowered;
	[smem:$0x3FD2] =	sst s25  }
0xa6: {  	s5 =	sshll.u32 s26, $0x1;
	_ =	strace $0x80000049;
	[dreg:$0x1] =	wrdreg $0xFFFFFFFF  }
0xa7: {  	s28 =	simm.s32 $_size_execute0_lowered;
	s3 =	sadd.s32 s3, s5;
	[dreg:$0x0] =	wrdreg $0x0  }
0xa8: {  	s5 =	sshll.u32 s28, $0x1;
	[dreg:$0x2] =	wrdreg s3  }
0xa9: {  	[dreg:$0x3] =	wrdreg s5  }
0xaa: {  	[dreg:$0x4] =	wrdreg $0xC0  }
0xab: {  	_ =	task [dreg:s7], $0x5FFFF  }
0xac: {  	[dreg:$0x1] =	wrdreg $0xFFFFFFFF  }
0xad: {  	[dreg:$0x0] =	wrdreg $0x60  }
0xae: {  	[dreg:$0x2] =	wrdreg s2  }
0xaf: {  	[dreg:$0x3] =	wrdreg s24  }
0xb0: {  	[dreg:$0x4] =	wrdreg $0x76C00  }
0xb1: {  	[dreg:$0x5] =	wrdreg $0x9  }
0xb2: {  	_ =	task.clear_ibuf [dreg:s7], $0x6FFFF;
	_ =	strace $0x90000049  }
0xb3: {  	s29 =	simm.s32 $0x9;
	_ =	strace $0x8000004B  }
0xb4: {  	_ =	swait.ge [sflag:s29], $0x1  }
0xb5: {  	[sflag:s29] =	ssyncadd.s32 $0xFFFFFFFF  }
0xb6: {  	_ =	strace $0x9000004B  }
0xb7: {  	_ =	sfence  }
0xb8: {  	s30 =	sld [smem:$0x0];
	_ =	sdelay $0x2  }
0xb9: {  	s31 =	sshll.u32 s1, $0xD;
	s1 =	sshrl.u32 s1, $0x2  }
0xba: {  	s3 =	sand.u32 $0x4000, s31;
	s1 =	sadd.s32 s1, s30  }
0xbb: {  	s0 =	sor.u32 s3, s0;
	s1 =	sshll.u32 s1, $0x11  }
0xbc: {  	s0 =	sor.u32 s1, s0  }
0xbd: {  	s0 =	sadd.s32 $0x8F2B, s0  }
0xbe: {  	[sflag:s0] =	ssyncadd.remote.s32 $0x1  }
0xbf: {  	_ =	sfence.sel $0xFFFF  }
0xc0: {  	[dreg:$0x0] =	wrdreg $0xFFFFFFFF;
	(pc) =	sbr.abs _section_cstart, $3  }
0xc1: {  	[dreg:$0x1] =	wrdreg $0xFFFFFFFF  }
0xc2: {  	_ =	task.clear_ibuf [dreg:s7], $0x2FFFF;
	_ =	strace $0x9FFFFFFF  }
0xc3: {  	(tm) =	ssettm $0x7FFFFFFF  }
tec
execute0_lowered:
.L_overlay_start_1:
0x0: {  	(tag) =	ssettag $0x1  }
0x1: {  	s1 =	rddreg [dreg:$0x0]  }
0x2: {  	s6 =	rddreg [dreg:$0x1]  }
0x3: {  	s0 =	srdreg.scid;
	s3 =	rddreg [dreg:$0x2]  }
0x4: {  	s2 =	rddreg [dreg:$0x3];
	s4 =	simm.s32 $0x0;
	s14 =	simm.s32 $0x50  }
0x5: {  	s15 =	simm.s32 $0x4EC0;
	s16 =	simm.s32 $0x1;
	s17 =	simm.s32 $0x62C0  }
0x6: {  	s18 =	simm.s32 $0x2;
	s19 =	simm.s32 $0x27B0;
	s5 =	sand.u32 $0x1, s0  }
0x7: {  	s20 =	simm.s32 $0x3;
	s0 =	stileid.u32;
	s7 =	smul.u32 $0x27600, s5  }
0x8: {  	s21 =	simm.s32 $0xA0;
	s22 =	simm.s32 $0x4;
	s8 =	smul.u32 $0x2760, s0  }
0x9: {  	s23 =	simm.s32 $0x0;
	[smem:$0x7FF] =	sst s4;
	s9 =	smul.u32 $0x14000, s0  }
0xa: {  	s10 =	smul.u32 $0x140000, s5;
	_ =	strace $0x8000004A;
	s31 =	ssub.s32 $0x2, s5  }
0xb: {  	s5 =	sadd.s32 $0x1B600, s6;
	s12 =	sshll.u32 s0, $0x6;
	s11 =	sshrl.u32 s31, $0x1  }
0xc: {  	s12 =	sor.u32 $0x1C05, s12;
	s7 =	sadd.s32 s8, s7;
	s30 =	sadd.s32 s9, s10  }
.Ltmp0:
0xd: {  	s10 =	ssub.s32 s31, s11;
	s9 =	sshrl.u32 s9, $0x1;
	(pc) =	sbr.rel .LBB2_1-.Ltmp0, $4  }
0xe: {  	s11 =	simm.s32 $0x2760;
	s7 =	sshrl.u32 s7, $0x3;
	s8 =	sshrl.u32 s30, $0x4  }
0xf: {  	s13 =	sadd.s32 s9, s3;
	s9 =	smax.u32 s10, $0x1;
	s10 =	simm.s32 $0x5  }
0x10: {  	s7 =	sadd.s32 s7, s6;
	s8 =	sadd.s32 s8, s6;
	s13 =	sshrl.u32 s13, $0x3  }
0x11: {  	s6 =	sadd.s32 $0x7A00, s7;
	s7 =	sadd.s32 $0x11780, s7;
	s8 =	sadd.s32 $0x1CA00, s8  }
.LBB2_4:
0x12: {  	_ =	swait.ge [sflag:s22], $0x1400  }
0x13: {  	s23 =	sadd.s32 $0x1, s23;
	[sflag:s22] =	ssyncset.done $0x0  }
0x14: {  	p0 =	sne.s32 s23, s9;
	[sflag:s22] =	ssyncadd.s32 $0xFFFFEC00  }
.Ltmp1:
0x15: {  	[bflag:$0x0] =	sbarrier.arrive $0xFFFF;
	(pc) =	sbr.rel @!p0 .LBB2_5-.Ltmp1, $4  }
0x16: {  	[hbm:s8], [sflag:s12] =	dma.local [spmem:s13], $0x1400  }
0x17: {  	_ =	swait.ge [sflag:s10], $0x1400  }
0x18: {  	[sflag:s10] =	ssyncset.done $0x0  }
0x19: {  	[sflag:s10] =	ssyncadd.s32 $0xFFFFEC00  }
.LBB2_1:
0x1a: {  	[tilespmem:s4], [sflag:$0x5] =	stream.linear.gather [hbm4b:s6+s4], $0x2760, $0x38;
	[tilespmem:$0x116C0] =	vst v63  }
0x1b: {  	_ =	swait.ge [sflag:s10], $0x2760  }
0x1c: {  	[sflag:s10] =	ssyncset.done $0x0  }
0x1d: {  	[sflag:s10] =	ssyncadd.s32 $0xFFFFD8A0  }
0x1e: {  	[tilespmem:s11], [sflag:$0x5] =	stream.linear.gather [hbm4b:s7+s4], $0x2760, $0x38;
	[tilespmem:$0x116C0] =	vst v63  }
0x1f: {  	_ =	swait.ge [sflag:s10], $0x2760  }
0x20: {  	[sflag:s10] =	ssyncset.done $0x0  }
0x21: {  	[sflag:s10] =	ssyncadd.s32 $0xFFFFD8A0  }
0x22: {  	[spmem:s13], [sflag:s12] =	dma.local [hbm:s5], $0x1400  }
0x23: {  	_ =	swait.ge [sflag:s10], $0x1400  }
0x24: {  	[sflag:s10] =	ssyncset.done $0x0  }
0x25: {  	[sflag:s10] =	ssyncadd.s32 $0xFFFFEC00  }
0x26: {  	[bflag:$0x0] =	sbarrier.arrive $0xFFFF  }
0x27: {  	[tilespmem:s15], [sflag:$0x1] =	stream.indirect.gather [hbm4b:s1+s14], $0x40, s4, s14, $0xb8;
	[tilespmem:$0x116C0] =	vst v63  }
0x28: {  	_ =	swait.ge [sflag:s16], $0x1400  }
0x29: {  	[sflag:s16] =	ssyncset.done $0x0  }
0x2a: {  	[sflag:s16] =	ssyncadd.s32 $0xFFFFEC00  }
0x2b: {  	[spmem:s3] =	stream.indirect.scatter.add.bf16 [tilespmem:s15], [sflag:$0x3], $0x40, s11, s14, $0xb8;
	[tilespmem:$0x116C0] =	vst v63  }
0x2c: {  	_ = 	snop  }
0x2d: {  	[tilespmem:s17], [sflag:$0x2] =	stream.indirect.gather [hbm4b:s1+s14], $0x40, s14, s14, $0xb8;
	[tilespmem:$0x116C0] =	vst v63  }
0x2e: {  	_ =	swait.ge [sflag:s18], $0x1400  }
0x2f: {  	[sflag:s18] =	ssyncset.done $0x0  }
0x30: {  	[sflag:s18] =	ssyncadd.s32 $0xFFFFEC00  }
0x31: {  	[spmem:s3] =	stream.indirect.scatter.add.bf16 [tilespmem:s17], [sflag:$0x4], $0x40, s19, s14, $0xb8;
	[tilespmem:$0x116C0] =	vst v63  }
0x32: {  	_ =	swait.ge [sflag:s20], $0x1400  }
0x33: {  	[sflag:s20] =	ssyncset.done $0x0  }
0x34: {  	s24 =	simm.s32 $0xFFFF6780;
	[sflag:s20] =	ssyncadd.s32 $0xFFFFEC00  }
0x35: {  	[tilespmem:s15], [sflag:$0x1] =	stream.indirect.gather [hbm4b:s1+s14], $0x40, s21, s14, $0xb8;
	[tilespmem:$0x116C0] =	vst v63  }
.LBB2_2:
0x36: {  	_ =	swait.ge [sflag:s16], $0x1400  }
0x37: {  	s25 =	sshra.s32 s24, $0x2;
	[sflag:s16] =	ssyncset.done $0x0  }
0x38: {  	s26 =	sadd.s32 $0x4E20, s25;
	[sflag:s16] =	ssyncadd.s32 $0xFFFFEC00  }
0x39: {  	[spmem:s3] =	stream.indirect.scatter.add.bf16 [tilespmem:s15], [sflag:$0x3], $0x40, s26, s14, $0xb8;
	[tilespmem:$0x116C0] =	vst v63  }
0x3a: {  	_ =	swait.ge [sflag:s22], $0x1400  }
0x3b: {  	[sflag:s22] =	ssyncset.done $0x0  }
0x3c: {  	s30 =	sadd.s32 $0x2710, s25;
	[sflag:s22] =	ssyncadd.s32 $0xFFFFEC00  }
0x3d: {  	[tilespmem:s17], [sflag:$0x2] =	stream.indirect.gather [hbm4b:s1+s14], $0x40, s30, s14, $0xb8;
	[tilespmem:$0x116C0] =	vst v63  }
0x3e: {  	_ =	swait.ge [sflag:s18], $0x1400  }
0x3f: {  	p0 =	seq.s32 s24, $0x0;
	[sflag:s18] =	ssyncset.done $0x0  }
.Ltmp2:
0x40: {  	s31 =	sadd.s32 $0x4E70, s25;
	[sflag:s18] =	ssyncadd.s32 $0xFFFFEC00;
	(pc) =	sbr.rel @p0 .LBB2_4-.Ltmp2, $4  }
0x41: {  	[spmem:s3] =	stream.indirect.scatter.add.bf16 [tilespmem:s17], [sflag:$0x4], $0x40, s31, s14, $0xb8;
	[tilespmem:$0x116C0] =	vst v63  }
0x42: {  	_ =	swait.ge [sflag:s20], $0x1400  }
0x43: {  	[sflag:s20] =	ssyncset.done $0x0  }
0x44: {  	[sflag:s20] =	ssyncadd.s32 $0xFFFFEC00  }
.Ltmp3:
0x45: {  	(pc) =	sbr.rel .LBB2_2-.Ltmp3, $3  }
0x46: {  	_ =	sdelay $0x1  }
0x47: {  	s25 =	sadd.s32 $0x2760, s25;
	s24 =	sadd.s32 $0x280, s24  }
0x48: {  	[tilespmem:s15], [sflag:$0x1] =	stream.indirect.gather [hbm4b:s1+s14], $0x40, s25, s14, $0xb8;
	[tilespmem:$0x116C0] =	vst v63  }
.LBB2_5:
0x49: {  	_ =	sfence.sel $0x180000  }
0x4a: {  	[bflag:$0x0] =	sbarrier.arrive $0xFFFF  }
0x4b: {  	p0 =	sne.s32 s0, $0x0;
	_ =	strace $0x9000004A  }
0x4c: {  	s0 =	sadd.s32 @!p0 $0x100000, s2;
	[bflag:$0x2] =	sbarrier.arrive $0xFFFF  }
0x4d: {  	[sflag:s0] =	ssyncadd.tile.s32 @!p0 $0x1;
	_ =	shalt  }
.Lfunc_end2:
_tile_overlayer_lowered:
.L_overlay_start_2:
0x4e: {  	(tag) =	ssettag $0x2  }
0x4f: {  	s0 =	rddreg [dreg:$0x0];
	s2 =	stileid.u32  }
0x50: {  	s1 =	rddreg [dreg:$0x1];
	p0 =	sne.s32 s2, $0x0  }
0x51: {  	s3 =	rddreg [dreg:$0x2];
	[bflag:$0x3] =	sbarrier.arrive $0xFFFF;
	s2 =	simm.s32 @!p0 $0x1C05  }
0x52: {  	[timem:s3], [sflag:s2] =	dma.local @!p0 [hbm:s0], s1  }
0x53: {  	s0 =	simm.s32 @!p0 $0x5  }
0x54: {  	_ =	swait.ge @!p0 [sflag:s0], s1  }
0x55: {  	s1 =	ssub.s32 @!p0 $0x0, s1;
	[sflag:s0] =	ssyncset.done @!p0 $0x0  }
0x56: {  	[sflag:s0] =	ssyncadd.s32 @!p0 s1  }
0x57: {  	[bflag:$0x3] =	sbarrier.arrive $0xFFFF  }
0x58: {  	_ =	shalt  }

// kernel: kernel.16.cloned.1.call-start
scs
__scs_entry_jumppad:
0x0: {  	(pc) =	sbr.rel $0x88, $3  }
0x1: {  	(tag) =	ssettag $0x0;
	lr =	simm.s32 $0x1  }
0x2: {  	[smem:$0x3F99] =	sst lr;
	_ =	strace $0xD0000000  }
0x3: {  	_ = 	snop  }
0x4: {  	_ = 	snop  }
0x5: {  	_ = 	snop  }
0x6: {  	_ = 	snop  }
0x7: {  	_ = 	snop  }
__scs_overlays_trampoline_lowered:
0x8: {  	[smem:$0x3FA8] =	sst s0  }
0x9: {  	[smem:$0x3FA9] =	sst s1  }
0xa: {  	[smem:$0x3FAA] =	sst s2  }
0xb: {  	[smem:$0x3FAB] =	sst s3  }
0xc: {  	[smem:$0x3FAC] =	sst s4  }
0xd: {  	[smem:$0x3FAD] =	sst s5  }
0xe: {  	[smem:$0x3FAE] =	sst s6  }
0xf: {  	[smem:$0x3FAF] =	sst s7  }
0x10: {  	[smem:$0x3FB0] =	sst s8  }
0x11: {  	[smem:$0x3FB1] =	sst s9;
	s0 =	simm.s32 @!p0 $0x0  }
0x12: {  	s1 =	sld [smem:$0x3F97];
	s0 =	simm.s32 @p0 $0x1  }
0x13: {  	[smem:$0x3FB2] =	sst s0;
	s0 =	simm.s32 @!p1 $0x0  }
0x14: {  	s2 =	sld [smem:$0x3F96];
	s0 =	simm.s32 @p1 $0x1  }
0x15: {  	[smem:$0x3FB3] =	sst s0;
	s0 =	simm.s32 @!p2 $0x0  }
0x16: {  	s3 =	sld [smem:$0x3FDB];
	s0 =	simm.s32 @p2 $0x1  }
0x17: {  	s4 =	simm.s32 $0x1BF5;
	[smem:$0x3FB5] =	sst s0  }
0x18: {  	s0 =	sld [smem:$0x3F98];
	_ =	swait.ge [sflag:s4], $0x0  }
0x19: {  	s7 =	sld [smem:$0x3F99]  }
0x1a: {  	s8 =	sadd.s32 $0xFFFFE003, lr  }
0x1b: {  	s9 =	sadd.s32 $0xFFFFFEF7, lr;
	s5 =	simm.s32 $0xFFFFFFFF;
	p2 =	slt.u32 s8, $0xFFFFF086  }
0x1c: {  	p1 =	slt.u32 s9, $0xF7A;
	s5 =	simm.s32 @!p2 $0x0  }
0x1d: {  	s5 =	simm.s32 @p1 $0x1;
	p0 =	seq.s32 s7, s2  }
0x1e: {  	s7 =	smul.u32 @!p0 $0xF7A, s2;
	p2 =	seq.s32 @!p0 s5, $0x0  }
0x1f: {  	s9 =	smul.u32 $0xF7A, s1;
	s8 =	simm.s32 @!p0 $0x1BF5;
	p2 =	por !p2, p0  }
0x20: {  	[sflag:s8] =	ssyncset.s32 @!p0 $0xFFFFF086;
	s6 =	sadd.s32 @!p0 s3, s7;
	s7 =	simm.s32 @!p0 $0x108  }
0x21: {  	s3 =	sadd.s32 s3, s9;
	s6 =	sadd.s32 @!p0 $0x88, s6;
	s7 =	simm.s32 @p2 $0x1082  }
0x22: {  	[simem:s7], [sflag:s8] =	dma.local @!p0 [hbm:s6], $0xF7A  }
0x23: {  	s9 =	sor.u32 $0xD0000000, s2;
	s6 =	simm.s32 $0x108;
	_ =	swait.ge @!p0 [sflag:s8], $0x0  }
0x24: {  	s3 =	sadd.s32 $0x88, s3;
	s6 =	simm.s32 @!p1 $0x1082;
	[sflag:s4] =	ssyncset.s32 $0xFFFFF086  }
0x25: {  	[simem:s6], [sflag:s4] =	dma.local [hbm:s3], $0xF7A  }
0x26: {  	[smem:$0x3F99] =	sst s1;
	(tag) =	ssettag s2;
	_ =	strace s9  }
0x27: {  	s1 =	sld [smem:$0x3FA9]  }
0x28: {  	s2 =	sld [smem:$0x3FAA]  }
0x29: {  	s4 =	sld [smem:$0x3FAC]  }
0x2a: {  	p0 =	seq.s32 s5, $0x0;
	s5 =	sld [smem:$0x3FAD]  }
0x2b: {  	s6 =	sld [smem:$0x3FAE]  }
0x2c: {  	s7 =	sld [smem:$0x3FAF]  }
0x2d: {  	s3 =	simm.s32 $0x108;
	s8 =	sld [smem:$0x3FB0]  }
0x2e: {  	s3 =	simm.s32 @!p0 $0x1082;
	s9 =	sld [smem:$0x3FB1]  }
0x2f: {  	lr =	sadd.s32 s0, s3;
	s0 =	sld [smem:$0x3FA8]  }
0x30: {  	s3 =	sld [smem:$0x3FAB]  }
0x31: {  	[smem:$0x3FB4] =	sst s10  }
0x32: {  	s10 =	sld [smem:$0x3FB2];
	_ =	sdelay $0x3  }
0x33: {  	p0 =	seq.s32 s10, $0x1;
	s10 =	sld [smem:$0x3FB4];
	_ =	sdelay $0x3  }
0x34: {  	[smem:$0x3FB4] =	sst s10  }
0x35: {  	s10 =	sld [smem:$0x3FB3];
	_ =	sdelay $0x3  }
0x36: {  	p1 =	seq.s32 s10, $0x1;
	s10 =	sld [smem:$0x3FB4];
	_ =	sdelay $0x3  }
0x37: {  	[smem:$0x3FB4] =	sst s10  }
0x38: {  	s10 =	sld [smem:$0x3FB5]  }
0x39: {  	_ = 	snop;
	(pc) =	sbr.ind lr, $3  }
0x3a: {  	_ = 	snop  }
0x3b: {  	_ = 	snop  }
0x3c: {  	p2 =	seq.s32 s10, $0x1;
	s10 =	sld [smem:$0x3FB4]  }
0x3d: {  	_ =	shalt  }
0x3e: {  	_ =	shalt  }
0x3f: {  	_ =	shalt  }
0x40: {  	_ =	shalt  }
0x41: {  	_ =	shalt  }
0x42: {  	_ =	shalt  }
0x43: {  	_ =	shalt  }
0x44: {  	_ =	shalt  }
0x45: {  	_ =	shalt  }
0x46: {  	_ =	shalt  }
0x47: {  	_ =	shalt  }
0x48: {  	_ =	shalt  }
0x49: {  	_ =	shalt  }
0x4a: {  	_ =	shalt  }
0x4b: {  	_ =	shalt  }
0x4c: {  	_ =	shalt  }
0x4d: {  	_ =	shalt  }
0x4e: {  	_ =	shalt  }
0x4f: {  	_ =	shalt  }
0x50: {  	_ =	shalt  }
0x51: {  	_ =	shalt  }
0x52: {  	_ =	shalt  }
0x53: {  	_ =	shalt  }
0x54: {  	_ =	shalt  }
0x55: {  	_ =	shalt  }
0x56: {  	_ =	shalt  }
0x57: {  	_ =	shalt  }
0x58: {  	_ =	shalt  }
0x59: {  	_ =	shalt  }
0x5a: {  	_ =	shalt  }
0x5b: {  	_ =	shalt  }
0x5c: {  	_ =	shalt  }
0x5d: {  	_ =	shalt  }
0x5e: {  	_ =	shalt  }
0x5f: {  	_ =	shalt  }
0x60: {  	_ =	shalt  }
0x61: {  	_ =	shalt  }
0x62: {  	_ =	shalt  }
0x63: {  	_ =	shalt  }
0x64: {  	_ =	shalt  }
0x65: {  	_ =	shalt  }
0x66: {  	_ =	shalt  }
0x67: {  	_ =	shalt  }
0x68: {  	_ =	shalt  }
0x69: {  	_ =	shalt  }
0x6a: {  	_ =	shalt  }
0x6b: {  	_ =	shalt  }
0x6c: {  	_ =	shalt  }
0x6d: {  	_ =	shalt  }
0x6e: {  	_ =	shalt  }
0x6f: {  	_ =	shalt  }
0x70: {  	_ =	shalt  }
0x71: {  	_ =	shalt  }
0x72: {  	_ =	shalt  }
0x73: {  	_ =	shalt  }
0x74: {  	_ =	shalt  }
0x75: {  	_ =	shalt  }
0x76: {  	_ =	shalt  }
0x77: {  	_ =	shalt  }
0x78: {  	_ =	shalt  }
0x79: {  	_ =	shalt  }
0x7a: {  	_ =	shalt  }
0x7b: {  	_ =	shalt  }
0x7c: {  	_ =	shalt  }
0x7d: {  	_ =	shalt  }
0x7e: {  	_ =	shalt  }
0x7f: {  	_ =	shalt  }
0x80: {  	_ =	shalt  }
0x81: {  	_ =	shalt  }
0x82: {  	_ =	shalt  }
0x83: {  	_ =	shalt  }
0x84: {  	_ =	shalt  }
0x85: {  	_ =	shalt  }
0x86: {  	_ =	shalt  }
0x87: {  	_ =	shalt  }
.Lfunc_end0:
.L_simem_size_0:
called_computation.2_lowered:
.L_overlay_start_0:
0x88: {  	s2 =	sld [smem:$0x3FD9]  }
0x89: {  	s3 =	sld [smem:$0x3FFE];
	_ =	sdelay $0x1  }
0x8a: {  	s1 =	srdreg.scid  }
0x8b: {  	s0 =	sand.u32 $0x1, s1  }
0x8c: {  	s17 =	sshll.u32 s0, $0xA;
	s2 =	sadd.s32 s3, s2  }
0x8d: {  	s2 =	sadd.s32 s2, s17  }
0x8e: {  	[smem:$0x3FC0] =	sst s2  }
0x8f: {  	_ = 	snop  }
0x90: {  	s2 =	sld [smem:$0x3FD0];
	(tm) =	ssettm $0x1  }
0x91: {  	s18 =	sld [smem:$0x3FFB];
	_ =	sdelay $0x3  }
0x92: {  	_ =	strace s18  }
0x93: {  	s3 =	sld [smem:$0x3FFC];
	_ =	sdelay $0x3  }
0x94: {  	_ =	strace s3  }
0x95: {  	s3 =	sld [smem:$0x3FFD];
	_ =	sdelay $0x3  }
0x96: {  	_ =	strace s3  }
0x97: {  	_ =	strace $0x8FFFFFFF  }
0x98: {  	s19 =	sld [smem:$0x3FDB];
	_ =	sdelay $0x1  }
0x99: {  	s4 =	simm.s32 $_scs_section_size  }
0x9a: {  	s5 =	simm.s32 $_size__tile_overlayer_lowered;
	s6 =	simm.s32 $_tile_overlayer_lowered  }
0x9b: {  	s22 =	simm.s32 $0x1BFF;
	s21 =	sshll.u32 s6, $0x1;
	s3 =	sadd.s32 s4, s19  }
0x9c: {  	s7 =	simm.s32 $0x0;
	s20 =	sshll.u32 s5, $0x1;
	s5 =	sadd.s32 s21, s3  }
0x9d: {  	[timem:s7], [sflag:s22] =	dma.local [hbm:s5], s20  }
0x9e: {  	_ =	swait.ge [sflag:s22], s20  }
0x9f: {  	s4 =	ssub.s32 $0x0, s20;
	[sflag:s22] =	ssyncset.done $0x0  }
0xa0: {  	[sflag:s22] =	ssyncadd.s32 s4;
	_ =	sdelay $0x1  }
0xa1: {  	s23 =	simm.s32 $0x1B8B  }
0xa2: {  	_ =	swait.ge [sflag:s23], $0x1  }
0xa3: {  	[sflag:s23] =	ssyncset.done $0x0  }
0xa4: {  	s25 =	simm.s32 $0x1B8E;
	s24 =	sld [smem:$0x3FFE];
	[sflag:s23] =	ssyncadd.s32 $0xFFFFFFFF  }
0xa5: {  	s26 =	simm.s32 $execute0_lowered;
	[smem:$0x3FD2] =	sst s25  }
0xa6: {  	s5 =	sshll.u32 s26, $0x1;
	_ =	strace $0x8000004C;
	[dreg:$0x1] =	wrdreg $0xFFFFFFFF  }
0xa7: {  	s28 =	simm.s32 $_size_execute0_lowered;
	s3 =	sadd.s32 s3, s5;
	[dreg:$0x0] =	wrdreg $0x0  }
0xa8: {  	s5 =	sshll.u32 s28, $0x1;
	[dreg:$0x2] =	wrdreg s3  }
0xa9: {  	[dreg:$0x3] =	wrdreg s5  }
0xaa: {  	[dreg:$0x4] =	wrdreg $0xC0  }
0xab: {  	_ =	task [dreg:s7], $0x5FFFF  }
0xac: {  	[dreg:$0x1] =	wrdreg $0xFFFFFFFF  }
0xad: {  	[dreg:$0x0] =	wrdreg $0x60  }
0xae: {  	[dreg:$0x2] =	wrdreg s2  }
0xaf: {  	[dreg:$0x3] =	wrdreg s24  }
0xb0: {  	[dreg:$0x4] =	wrdreg $0x76C00  }
0xb1: {  	[dreg:$0x5] =	wrdreg $0x9  }
0xb2: {  	_ =	task.clear_ibuf [dreg:s7], $0x6FFFF;
	_ =	strace $0x9000004C  }
0xb3: {  	s29 =	simm.s32 $0x9;
	_ =	strace $0x8000004E  }
0xb4: {  	_ =	swait.ge [sflag:s29], $0x1  }
0xb5: {  	[sflag:s29] =	ssyncadd.s32 $0xFFFFFFFF  }
0xb6: {  	_ =	strace $0x9000004E  }
0xb7: {  	_ =	sfence  }
0xb8: {  	s30 =	sld [smem:$0x0];
	_ =	sdelay $0x2  }
0xb9: {  	s31 =	sshll.u32 s1, $0xD;
	s1 =	sshrl.u32 s1, $0x2  }
0xba: {  	s3 =	sand.u32 $0x4000, s31;
	s1 =	sadd.s32 s1, s30  }
0xbb: {  	s0 =	sor.u32 s3, s0;
	s1 =	sshll.u32 s1, $0x11  }
0xbc: {  	s0 =	sor.u32 s1, s0  }
0xbd: {  	s0 =	sadd.s32 $0x8F2B, s0  }
0xbe: {  	[sflag:s0] =	ssyncadd.remote.s32 $0x1  }
0xbf: {  	_ =	sfence.sel $0xFFFF  }
0xc0: {  	[dreg:$0x0] =	wrdreg $0xFFFFFFFF;
	(pc) =	sbr.abs _section_cstart, $3  }
0xc1: {  	[dreg:$0x1] =	wrdreg $0xFFFFFFFF  }
0xc2: {  	_ =	task.clear_ibuf [dreg:s7], $0x2FFFF;
	_ =	strace $0x9FFFFFFF  }
0xc3: {  	(tm) =	ssettm $0x7FFFFFFF  }
tec
execute0_lowered:
.L_overlay_start_1:
0x0: {  	(tag) =	ssettag $0x1  }
0x1: {  	s1 =	rddreg [dreg:$0x0]  }
0x2: {  	s6 =	rddreg [dreg:$0x1]  }
0x3: {  	s0 =	srdreg.scid;
	s3 =	rddreg [dreg:$0x2]  }
0x4: {  	s2 =	rddreg [dreg:$0x3];
	s4 =	simm.s32 $0x0;
	s14 =	simm.s32 $0x50  }
0x5: {  	s15 =	simm.s32 $0x4EC0;
	s16 =	simm.s32 $0x1;
	s17 =	simm.s32 $0x62C0  }
0x6: {  	s18 =	simm.s32 $0x2;
	s19 =	simm.s32 $0x27B0;
	s5 =	sand.u32 $0x1, s0  }
0x7: {  	s20 =	simm.s32 $0x3;
	s0 =	stileid.u32;
	s7 =	smul.u32 $0x27600, s5  }
0x8: {  	s21 =	simm.s32 $0xA0;
	s22 =	simm.s32 $0x4;
	s8 =	smul.u32 $0x2760, s0  }
0x9: {  	s23 =	simm.s32 $0x0;
	[smem:$0x7FF] =	sst s4;
	s9 =	smul.u32 $0x14000, s0  }
0xa: {  	s10 =	smul.u32 $0x140000, s5;
	_ =	strace $0x8000004D;
	s31 =	ssub.s32 $0x2, s5  }
0xb: {  	s5 =	sadd.s32 $0x1B600, s6;
	s12 =	sshll.u32 s0, $0x6;
	s11 =	sshrl.u32 s31, $0x1  }
0xc: {  	s12 =	sor.u32 $0x1C05, s12;
	s7 =	sadd.s32 s8, s7;
	s30 =	sadd.s32 s9, s10  }
.Ltmp0:
0xd: {  	s10 =	ssub.s32 s31, s11;
	s9 =	sshrl.u32 s9, $0x1;
	(pc) =	sbr.rel .LBB2_1-.Ltmp0, $4  }
0xe: {  	s11 =	simm.s32 $0x2760;
	s7 =	sshrl.u32 s7, $0x3;
	s8 =	sshrl.u32 s30, $0x4  }
0xf: {  	s13 =	sadd.s32 s9, s3;
	s9 =	smax.u32 s10, $0x1;
	s10 =	simm.s32 $0x5  }
0x10: {  	s7 =	sadd.s32 s7, s6;
	s8 =	sadd.s32 s8, s6;
	s13 =	sshrl.u32 s13, $0x3  }
0x11: {  	s6 =	sadd.s32 $0x7A00, s7;
	s7 =	sadd.s32 $0x11780, s7;
	s8 =	sadd.s32 $0x1CA00, s8  }
.LBB2_4:
0x12: {  	_ =	swait.ge [sflag:s22], $0x1400  }
0x13: {  	s23 =	sadd.s32 $0x1, s23;
	[sflag:s22] =	ssyncset.done $0x0  }
0x14: {  	p0 =	sne.s32 s23, s9;
	[sflag:s22] =	ssyncadd.s32 $0xFFFFEC00  }
.Ltmp1:
0x15: {  	[bflag:$0x0] =	sbarrier.arrive $0xFFFF;
	(pc) =	sbr.rel @!p0 .LBB2_5-.Ltmp1, $4  }
0x16: {  	[hbm:s8], [sflag:s12] =	dma.local [spmem:s13], $0x1400  }
0x17: {  	_ =	swait.ge [sflag:s10], $0x1400  }
0x18: {  	[sflag:s10] =	ssyncset.done $0x0  }
0x19: {  	[sflag:s10] =	ssyncadd.s32 $0xFFFFEC00  }
.LBB2_1:
0x1a: {  	[tilespmem:s4], [sflag:$0x5] =	stream.linear.gather [hbm4b:s6+s4], $0x2760, $0x38;
	[tilespmem:$0x116C0] =	vst v63  }
0x1b: {  	_ =	swait.ge [sflag:s10], $0x2760  }
0x1c: {  	[sflag:s10] =	ssyncset.done $0x0  }
0x1d: {  	[sflag:s10] =	ssyncadd.s32 $0xFFFFD8A0  }
0x1e: {  	[tilespmem:s11], [sflag:$0x5] =	stream.linear.gather [hbm4b:s7+s4], $0x2760, $0x38;
	[tilespmem:$0x116C0] =	vst v63  }
0x1f: {  	_ =	swait.ge [sflag:s10], $0x2760  }
0x20: {  	[sflag:s10] =	ssyncset.done $0x0  }
0x21: {  	[sflag:s10] =	ssyncadd.s32 $0xFFFFD8A0  }
0x22: {  	[spmem:s13], [sflag:s12] =	dma.local [hbm:s5], $0x1400  }
0x23: {  	_ =	swait.ge [sflag:s10], $0x1400  }
0x24: {  	[sflag:s10] =	ssyncset.done $0x0  }
0x25: {  	[sflag:s10] =	ssyncadd.s32 $0xFFFFEC00  }
0x26: {  	[bflag:$0x0] =	sbarrier.arrive $0xFFFF  }
0x27: {  	[tilespmem:s15], [sflag:$0x1] =	stream.indirect.gather [hbm4b:s1+s14], $0x40, s4, s14, $0xb8;
	[tilespmem:$0x116C0] =	vst v63  }
0x28: {  	_ =	swait.ge [sflag:s16], $0x1400  }
0x29: {  	[sflag:s16] =	ssyncset.done $0x0  }
0x2a: {  	[sflag:s16] =	ssyncadd.s32 $0xFFFFEC00  }
0x2b: {  	[spmem:s3] =	stream.indirect.scatter.add.bf16 [tilespmem:s15], [sflag:$0x3], $0x40, s11, s14, $0xb8;
	[tilespmem:$0x116C0] =	vst v63  }
0x2c: {  	_ = 	snop  }
0x2d: {  	[tilespmem:s17], [sflag:$0x2] =	stream.indirect.gather [hbm4b:s1+s14], $0x40, s14, s14, $0xb8;
	[tilespmem:$0x116C0] =	vst v63  }
0x2e: {  	_ =	swait.ge [sflag:s18], $0x1400  }
0x2f: {  	[sflag:s18] =	ssyncset.done $0x0  }
0x30: {  	[sflag:s18] =	ssyncadd.s32 $0xFFFFEC00  }
0x31: {  	[spmem:s3] =	stream.indirect.scatter.add.bf16 [tilespmem:s17], [sflag:$0x4], $0x40, s19, s14, $0xb8;
	[tilespmem:$0x116C0] =	vst v63  }
0x32: {  	_ =	swait.ge [sflag:s20], $0x1400  }
0x33: {  	[sflag:s20] =	ssyncset.done $0x0  }
0x34: {  	s24 =	simm.s32 $0xFFFF6780;
	[sflag:s20] =	ssyncadd.s32 $0xFFFFEC00  }
0x35: {  	[tilespmem:s15], [sflag:$0x1] =	stream.indirect.gather [hbm4b:s1+s14], $0x40, s21, s14, $0xb8;
	[tilespmem:$0x116C0] =	vst v63  }
.LBB2_2:
0x36: {  	_ =	swait.ge [sflag:s16], $0x1400  }
0x37: {  	s25 =	sshra.s32 s24, $0x2;
	[sflag:s16] =	ssyncset.done $0x0  }
0x38: {  	s26 =	sadd.s32 $0x4E20, s25;
	[sflag:s16] =	ssyncadd.s32 $0xFFFFEC00  }
0x39: {  	[spmem:s3] =	stream.indirect.scatter.add.bf16 [tilespmem:s15], [sflag:$0x3], $0x40, s26, s14, $0xb8;
	[tilespmem:$0x116C0] =	vst v63  }
0x3a: {  	_ =	swait.ge [sflag:s22], $0x1400  }
0x3b: {  	[sflag:s22] =	ssyncset.done $0x0  }
0x3c: {  	s30 =	sadd.s32 $0x2710, s25;
	[sflag:s22] =	ssyncadd.s32 $0xFFFFEC00  }
0x3d: {  	[tilespmem:s17], [sflag:$0x2] =	stream.indirect.gather [hbm4b:s1+s14], $0x40, s30, s14, $0xb8;
	[tilespmem:$0x116C0] =	vst v63  }
0x3e: {  	_ =	swait.ge [sflag:s18], $0x1400  }
0x3f: {  	p0 =	seq.s32 s24, $0x0;
	[sflag:s18] =	ssyncset.done $0x0  }
.Ltmp2:
0x40: {  	s31 =	sadd.s32 $0x4E70, s25;
	[sflag:s18] =	ssyncadd.s32 $0xFFFFEC00;
	(pc) =	sbr.rel @p0 .LBB2_4-.Ltmp2, $4  }
0x41: {  	[spmem:s3] =	stream.indirect.scatter.add.bf16 [tilespmem:s17], [sflag:$0x4], $0x40, s31, s14, $0xb8;
	[tilespmem:$0x116C0] =	vst v63  }
0x42: {  	_ =	swait.ge [sflag:s20], $0x1400  }
0x43: {  	[sflag:s20] =	ssyncset.done $0x0  }
0x44: {  	[sflag:s20] =	ssyncadd.s32 $0xFFFFEC00  }
.Ltmp3:
0x45: {  	(pc) =	sbr.rel .LBB2_2-.Ltmp3, $3  }
0x46: {  	_ =	sdelay $0x1  }
0x47: {  	s25 =	sadd.s32 $0x2760, s25;
	s24 =	sadd.s32 $0x280, s24  }
0x48: {  	[tilespmem:s15], [sflag:$0x1] =	stream.indirect.gather [hbm4b:s1+s14], $0x40, s25, s14, $0xb8;
	[tilespmem:$0x116C0] =	vst v63  }
.LBB2_5:
0x49: {  	_ =	sfence.sel $0x180000  }
0x4a: {  	[bflag:$0x0] =	sbarrier.arrive $0xFFFF  }
0x4b: {  	p0 =	sne.s32 s0, $0x0;
	_ =	strace $0x9000004D  }
0x4c: {  	s0 =	sadd.s32 @!p0 $0x100000, s2;
	[bflag:$0x2] =	sbarrier.arrive $0xFFFF  }
0x4d: {  	[sflag:s0] =	ssyncadd.tile.s32 @!p0 $0x1;
	_ =	shalt  }
.Lfunc_end2:
_tile_overlayer_lowered:
.L_overlay_start_2:
0x4e: {  	(tag) =	ssettag $0x2  }
0x4f: {  	s0 =	rddreg [dreg:$0x0];
	s2 =	stileid.u32  }
0x50: {  	s1 =	rddreg [dreg:$0x1];
	p0 =	sne.s32 s2, $0x0  }
0x51: {  	s3 =	rddreg [dreg:$0x2];
	[bflag:$0x3] =	sbarrier.arrive $0xFFFF;
	s2 =	simm.s32 @!p0 $0x1C05  }
0x52: {  	[timem:s3], [sflag:s2] =	dma.local @!p0 [hbm:s0], s1  }
0x53: {  	s0 =	simm.s32 @!p0 $0x5  }
0x54: {  	_ =	swait.ge @!p0 [sflag:s0], s1  }
0x55: {  	s1 =	ssub.s32 @!p0 $0x0, s1;
	[sflag:s0] =	ssyncset.done @!p0 $0x0  }
0x56: {  	[sflag:s0] =	ssyncadd.s32 @!p0 s1  }
0x57: {  	[bflag:$0x3] =	sbarrier.arrive $0xFFFF  }
0x58: {  	_ =	shalt  }

// kernel: kernel.19.cloned.1.call-start
scs
__scs_entry_jumppad:
0x0: {  	(pc) =	sbr.rel $0x88, $3  }
0x1: {  	(tag) =	ssettag $0x0;
	lr =	simm.s32 $0x1  }
0x2: {  	[smem:$0x3F99] =	sst lr;
	_ =	strace $0xD0000000  }
0x3: {  	_ = 	snop  }
0x4: {  	_ = 	snop  }
0x5: {  	_ = 	snop  }
0x6: {  	_ = 	snop  }
0x7: {  	_ = 	snop  }
__scs_overlays_trampoline_lowered:
0x8: {  	[smem:$0x3FA8] =	sst s0  }
0x9: {  	[smem:$0x3FA9] =	sst s1  }
0xa: {  	[smem:$0x3FAA] =	sst s2  }
0xb: {  	[smem:$0x3FAB] =	sst s3  }
0xc: {  	[smem:$0x3FAC] =	sst s4  }
0xd: {  	[smem:$0x3FAD] =	sst s5  }
0xe: {  	[smem:$0x3FAE] =	sst s6  }
0xf: {  	[smem:$0x3FAF] =	sst s7  }
0x10: {  	[smem:$0x3FB0] =	sst s8  }
0x11: {  	[smem:$0x3FB1] =	sst s9;
	s0 =	simm.s32 @!p0 $0x0  }
0x12: {  	s1 =	sld [smem:$0x3F97];
	s0 =	simm.s32 @p0 $0x1  }
0x13: {  	[smem:$0x3FB2] =	sst s0;
	s0 =	simm.s32 @!p1 $0x0  }
0x14: {  	s2 =	sld [smem:$0x3F96];
	s0 =	simm.s32 @p1 $0x1  }
0x15: {  	[smem:$0x3FB3] =	sst s0;
	s0 =	simm.s32 @!p2 $0x0  }
0x16: {  	s3 =	sld [smem:$0x3FDB];
	s0 =	simm.s32 @p2 $0x1  }
0x17: {  	s4 =	simm.s32 $0x1BF5;
	[smem:$0x3FB5] =	sst s0  }
0x18: {  	s0 =	sld [smem:$0x3F98];
	_ =	swait.ge [sflag:s4], $0x0  }
0x19: {  	s7 =	sld [smem:$0x3F99]  }
0x1a: {  	s8 =	sadd.s32 $0xFFFFE003, lr  }
0x1b: {  	s9 =	sadd.s32 $0xFFFFFEF7, lr;
	s5 =	simm.s32 $0xFFFFFFFF;
	p2 =	slt.u32 s8, $0xFFFFF086  }
0x1c: {  	p1 =	slt.u32 s9, $0xF7A;
	s5 =	simm.s32 @!p2 $0x0  }
0x1d: {  	s5 =	simm.s32 @p1 $0x1;
	p0 =	seq.s32 s7, s2  }
0x1e: {  	s7 =	smul.u32 @!p0 $0xF7A, s2;
	p2 =	seq.s32 @!p0 s5, $0x0  }
0x1f: {  	s9 =	smul.u32 $0xF7A, s1;
	s8 =	simm.s32 @!p0 $0x1BF5;
	p2 =	por !p2, p0  }
0x20: {  	[sflag:s8] =	ssyncset.s32 @!p0 $0xFFFFF086;
	s6 =	sadd.s32 @!p0 s3, s7;
	s7 =	simm.s32 @!p0 $0x108  }
0x21: {  	s3 =	sadd.s32 s3, s9;
	s6 =	sadd.s32 @!p0 $0x88, s6;
	s7 =	simm.s32 @p2 $0x1082  }
0x22: {  	[simem:s7], [sflag:s8] =	dma.local @!p0 [hbm:s6], $0xF7A  }
0x23: {  	s9 =	sor.u32 $0xD0000000, s2;
	s6 =	simm.s32 $0x108;
	_ =	swait.ge @!p0 [sflag:s8], $0x0  }
0x24: {  	s3 =	sadd.s32 $0x88, s3;
	s6 =	simm.s32 @!p1 $0x1082;
	[sflag:s4] =	ssyncset.s32 $0xFFFFF086  }
0x25: {  	[simem:s6], [sflag:s4] =	dma.local [hbm:s3], $0xF7A  }
0x26: {  	[smem:$0x3F99] =	sst s1;
	(tag) =	ssettag s2;
	_ =	strace s9  }
0x27: {  	s1 =	sld [smem:$0x3FA9]  }
0x28: {  	s2 =	sld [smem:$0x3FAA]  }
0x29: {  	s4 =	sld [smem:$0x3FAC]  }
0x2a: {  	p0 =	seq.s32 s5, $0x0;
	s5 =	sld [smem:$0x3FAD]  }
0x2b: {  	s6 =	sld [smem:$0x3FAE]  }
0x2c: {  	s7 =	sld [smem:$0x3FAF]  }
0x2d: {  	s3 =	simm.s32 $0x108;
	s8 =	sld [smem:$0x3FB0]  }
0x2e: {  	s3 =	simm.s32 @!p0 $0x1082;
	s9 =	sld [smem:$0x3FB1]  }
0x2f: {  	lr =	sadd.s32 s0, s3;
	s0 =	sld [smem:$0x3FA8]  }
0x30: {  	s3 =	sld [smem:$0x3FAB]  }
0x31: {  	[smem:$0x3FB4] =	sst s10  }
0x32: {  	s10 =	sld [smem:$0x3FB2];
	_ =	sdelay $0x3  }
0x33: {  	p0 =	seq.s32 s10, $0x1;
	s10 =	sld [smem:$0x3FB4];
	_ =	sdelay $0x3  }
0x34: {  	[smem:$0x3FB4] =	sst s10  }
0x35: {  	s10 =	sld [smem:$0x3FB3];
	_ =	sdelay $0x3  }
0x36: {  	p1 =	seq.s32 s10, $0x1;
	s10 =	sld [smem:$0x3FB4];
	_ =	sdelay $0x3  }
0x37: {  	[smem:$0x3FB4] =	sst s10  }
0x38: {  	s10 =	sld [smem:$0x3FB5]  }
0x39: {  	_ = 	snop;
	(pc) =	sbr.ind lr, $3  }
0x3a: {  	_ = 	snop  }
0x3b: {  	_ = 	snop  }
0x3c: {  	p2 =	seq.s32 s10, $0x1;
	s10 =	sld [smem:$0x3FB4]  }
0x3d: {  	_ =	shalt  }
0x3e: {  	_ =	shalt  }
0x3f: {  	_ =	shalt  }
0x40: {  	_ =	shalt  }
0x41: {  	_ =	shalt  }
0x42: {  	_ =	shalt  }
0x43: {  	_ =	shalt  }
0x44: {  	_ =	shalt  }
0x45: {  	_ =	shalt  }
0x46: {  	_ =	shalt  }
0x47: {  	_ =	shalt  }
0x48: {  	_ =	shalt  }
0x49: {  	_ =	shalt  }
0x4a: {  	_ =	shalt  }
0x4b: {  	_ =	shalt  }
0x4c: {  	_ =	shalt  }
0x4d: {  	_ =	shalt  }
0x4e: {  	_ =	shalt  }
0x4f: {  	_ =	shalt  }
0x50: {  	_ =	shalt  }
0x51: {  	_ =	shalt  }
0x52: {  	_ =	shalt  }
0x53: {  	_ =	shalt  }
0x54: {  	_ =	shalt  }
0x55: {  	_ =	shalt  }
0x56: {  	_ =	shalt  }
0x57: {  	_ =	shalt  }
0x58: {  	_ =	shalt  }
0x59: {  	_ =	shalt  }
0x5a: {  	_ =	shalt  }
0x5b: {  	_ =	shalt  }
0x5c: {  	_ =	shalt  }
0x5d: {  	_ =	shalt  }
0x5e: {  	_ =	shalt  }
0x5f: {  	_ =	shalt  }
0x60: {  	_ =	shalt  }
0x61: {  	_ =	shalt  }
0x62: {  	_ =	shalt  }
0x63: {  	_ =	shalt  }
0x64: {  	_ =	shalt  }
0x65: {  	_ =	shalt  }
0x66: {  	_ =	shalt  }
0x67: {  	_ =	shalt  }
0x68: {  	_ =	shalt  }
0x69: {  	_ =	shalt  }
0x6a: {  	_ =	shalt  }
0x6b: {  	_ =	shalt  }
0x6c: {  	_ =	shalt  }
0x6d: {  	_ =	shalt  }
0x6e: {  	_ =	shalt  }
0x6f: {  	_ =	shalt  }
0x70: {  	_ =	shalt  }
0x71: {  	_ =	shalt  }
0x72: {  	_ =	shalt  }
0x73: {  	_ =	shalt  }
0x74: {  	_ =	shalt  }
0x75: {  	_ =	shalt  }
0x76: {  	_ =	shalt  }
0x77: {  	_ =	shalt  }
0x78: {  	_ =	shalt  }
0x79: {  	_ =	shalt  }
0x7a: {  	_ =	shalt  }
0x7b: {  	_ =	shalt  }
0x7c: {  	_ =	shalt  }
0x7d: {  	_ =	shalt  }
0x7e: {  	_ =	shalt  }
0x7f: {  	_ =	shalt  }
0x80: {  	_ =	shalt  }
0x81: {  	_ =	shalt  }
0x82: {  	_ =	shalt  }
0x83: {  	_ =	shalt  }
0x84: {  	_ =	shalt  }
0x85: {  	_ =	shalt  }
0x86: {  	_ =	shalt  }
0x87: {  	_ =	shalt  }
.Lfunc_end0:
.L_simem_size_0:
called_computation.3_lowered:
.L_overlay_start_0:
0x88: {  	s2 =	sld [smem:$0x3FD9]  }
0x89: {  	s3 =	sld [smem:$0x3FFE];
	_ =	sdelay $0x1  }
0x8a: {  	s1 =	srdreg.scid  }
0x8b: {  	s0 =	sand.u32 $0x1, s1  }
0x8c: {  	s17 =	sshll.u32 s0, $0xA;
	s2 =	sadd.s32 s3, s2  }
0x8d: {  	s2 =	sadd.s32 s2, s17  }
0x8e: {  	[smem:$0x3FC0] =	sst s2  }
0x8f: {  	_ = 	snop  }
0x90: {  	s2 =	sld [smem:$0x3FD0];
	(tm) =	ssettm $0x1  }
0x91: {  	s18 =	sld [smem:$0x3FFB];
	_ =	sdelay $0x3  }
0x92: {  	_ =	strace s18  }
0x93: {  	s3 =	sld [smem:$0x3FFC];
	_ =	sdelay $0x3  }
0x94: {  	_ =	strace s3  }
0x95: {  	s3 =	sld [smem:$0x3FFD];
	_ =	sdelay $0x3  }
0x96: {  	_ =	strace s3  }
0x97: {  	_ =	strace $0x8FFFFFFF  }
0x98: {  	s19 =	sld [smem:$0x3FDB];
	_ =	sdelay $0x1  }
0x99: {  	s4 =	simm.s32 $_scs_section_size  }
0x9a: {  	s5 =	simm.s32 $_size__tile_overlayer_lowered;
	s6 =	simm.s32 $_tile_overlayer_lowered  }
0x9b: {  	s22 =	simm.s32 $0x1BFF;
	s21 =	sshll.u32 s6, $0x1;
	s3 =	sadd.s32 s4, s19  }
0x9c: {  	s7 =	simm.s32 $0x0;
	s20 =	sshll.u32 s5, $0x1;
	s5 =	sadd.s32 s21, s3  }
0x9d: {  	[timem:s7], [sflag:s22] =	dma.local [hbm:s5], s20  }
0x9e: {  	_ =	swait.ge [sflag:s22], s20  }
0x9f: {  	s4 =	ssub.s32 $0x0, s20;
	[sflag:s22] =	ssyncset.done $0x0  }
0xa0: {  	[sflag:s22] =	ssyncadd.s32 s4;
	_ =	sdelay $0x1  }
0xa1: {  	s23 =	simm.s32 $0x1B8B  }
0xa2: {  	_ =	swait.ge [sflag:s23], $0x1  }
0xa3: {  	[sflag:s23] =	ssyncset.done $0x0  }
0xa4: {  	s25 =	simm.s32 $0x1B8E;
	s24 =	sld [smem:$0x3FFE];
	[sflag:s23] =	ssyncadd.s32 $0xFFFFFFFF  }
0xa5: {  	s26 =	simm.s32 $execute0_lowered;
	[smem:$0x3FD2] =	sst s25  }
0xa6: {  	s5 =	sshll.u32 s26, $0x1;
	_ =	strace $0x8000004F;
	[dreg:$0x1] =	wrdreg $0xFFFFFFFF  }
0xa7: {  	s28 =	simm.s32 $_size_execute0_lowered;
	s3 =	sadd.s32 s3, s5;
	[dreg:$0x0] =	wrdreg $0x0  }
0xa8: {  	s5 =	sshll.u32 s28, $0x1;
	[dreg:$0x2] =	wrdreg s3  }
0xa9: {  	[dreg:$0x3] =	wrdreg s5  }
0xaa: {  	[dreg:$0x4] =	wrdreg $0xC0  }
0xab: {  	_ =	task [dreg:s7], $0x5FFFF  }
0xac: {  	[dreg:$0x1] =	wrdreg $0xFFFFFFFF  }
0xad: {  	[dreg:$0x0] =	wrdreg $0x60  }
0xae: {  	[dreg:$0x2] =	wrdreg s2  }
0xaf: {  	[dreg:$0x3] =	wrdreg s24  }
0xb0: {  	[dreg:$0x4] =	wrdreg $0x76C00  }
0xb1: {  	[dreg:$0x5] =	wrdreg $0x9  }
0xb2: {  	_ =	task.clear_ibuf [dreg:s7], $0x6FFFF;
	_ =	strace $0x9000004F  }
0xb3: {  	s29 =	simm.s32 $0x9;
	_ =	strace $0x80000051  }
0xb4: {  	_ =	swait.ge [sflag:s29], $0x1  }
0xb5: {  	[sflag:s29] =	ssyncadd.s32 $0xFFFFFFFF  }
0xb6: {  	_ =	strace $0x90000051  }
0xb7: {  	_ =	sfence  }
0xb8: {  	s30 =	sld [smem:$0x0];
	_ =	sdelay $0x2  }
0xb9: {  	s31 =	sshll.u32 s1, $0xD;
	s1 =	sshrl.u32 s1, $0x2  }
0xba: {  	s3 =	sand.u32 $0x4000, s31;
	s1 =	sadd.s32 s1, s30  }
0xbb: {  	s0 =	sor.u32 s3, s0;
	s1 =	sshll.u32 s1, $0x11  }
0xbc: {  	s0 =	sor.u32 s1, s0  }
0xbd: {  	s0 =	sadd.s32 $0x8F2B, s0  }
0xbe: {  	[sflag:s0] =	ssyncadd.remote.s32 $0x1  }
0xbf: {  	_ =	sfence.sel $0xFFFF  }
0xc0: {  	[dreg:$0x0] =	wrdreg $0xFFFFFFFF;
	(pc) =	sbr.abs _section_cstart, $3  }
0xc1: {  	[dreg:$0x1] =	wrdreg $0xFFFFFFFF  }
0xc2: {  	_ =	task.clear_ibuf [dreg:s7], $0x2FFFF;
	_ =	strace $0x9FFFFFFF  }
0xc3: {  	(tm) =	ssettm $0x7FFFFFFF  }
tec
execute0_lowered:
.L_overlay_start_1:
0x0: {  	(tag) =	ssettag $0x1  }
0x1: {  	s1 =	rddreg [dreg:$0x0]  }
0x2: {  	s6 =	rddreg [dreg:$0x1]  }
0x3: {  	s0 =	srdreg.scid;
	s3 =	rddreg [dreg:$0x2]  }
0x4: {  	s2 =	rddreg [dreg:$0x3];
	s4 =	simm.s32 $0x0;
	s14 =	simm.s32 $0x50  }
0x5: {  	s15 =	simm.s32 $0x4EC0;
	s16 =	simm.s32 $0x1;
	s17 =	simm.s32 $0x62C0  }
0x6: {  	s18 =	simm.s32 $0x2;
	s19 =	simm.s32 $0x27B0;
	s5 =	sand.u32 $0x1, s0  }
0x7: {  	s20 =	simm.s32 $0x3;
	s0 =	stileid.u32;
	s7 =	smul.u32 $0x27600, s5  }
0x8: {  	s21 =	simm.s32 $0xA0;
	s22 =	simm.s32 $0x4;
	s8 =	smul.u32 $0x2760, s0  }
0x9: {  	s23 =	simm.s32 $0x0;
	[smem:$0x7FF] =	sst s4;
	s9 =	smul.u32 $0x14000, s0  }
0xa: {  	s10 =	smul.u32 $0x140000, s5;
	_ =	strace $0x80000050;
	s31 =	ssub.s32 $0x2, s5  }
0xb: {  	s5 =	sadd.s32 $0x1B600, s6;
	s12 =	sshll.u32 s0, $0x6;
	s11 =	sshrl.u32 s31, $0x1  }
0xc: {  	s12 =	sor.u32 $0x1C05, s12;
	s7 =	sadd.s32 s8, s7;
	s30 =	sadd.s32 s9, s10  }
.Ltmp0:
0xd: {  	s10 =	ssub.s32 s31, s11;
	s9 =	sshrl.u32 s9, $0x1;
	(pc) =	sbr.rel .LBB2_1-.Ltmp0, $4  }
0xe: {  	s11 =	simm.s32 $0x2760;
	s7 =	sshrl.u32 s7, $0x3;
	s8 =	sshrl.u32 s30, $0x4  }
0xf: {  	s13 =	sadd.s32 s9, s3;
	s9 =	smax.u32 s10, $0x1;
	s10 =	simm.s32 $0x5  }
0x10: {  	s7 =	sadd.s32 s7, s6;
	s8 =	sadd.s32 s8, s6;
	s13 =	sshrl.u32 s13, $0x3  }
0x11: {  	s6 =	sadd.s32 $0x7A00, s7;
	s7 =	sadd.s32 $0x11780, s7;
	s8 =	sadd.s32 $0x1CA00, s8  }
.LBB2_4:
0x12: {  	_ =	swait.ge [sflag:s22], $0x1400  }
0x13: {  	s23 =	sadd.s32 $0x1, s23;
	[sflag:s22] =	ssyncset.done $0x0  }
0x14: {  	p0 =	sne.s32 s23, s9;
	[sflag:s22] =	ssyncadd.s32 $0xFFFFEC00  }
.Ltmp1:
0x15: {  	[bflag:$0x0] =	sbarrier.arrive $0xFFFF;
	(pc) =	sbr.rel @!p0 .LBB2_5-.Ltmp1, $4  }
0x16: {  	[hbm:s8], [sflag:s12] =	dma.local [spmem:s13], $0x1400  }
0x17: {  	_ =	swait.ge [sflag:s10], $0x1400  }
0x18: {  	[sflag:s10] =	ssyncset.done $0x0  }
0x19: {  	[sflag:s10] =	ssyncadd.s32 $0xFFFFEC00  }
.LBB2_1:
0x1a: {  	[tilespmem:s4], [sflag:$0x5] =	stream.linear.gather [hbm4b:s6+s4], $0x2760, $0x38;
	[tilespmem:$0x116C0] =	vst v63  }
0x1b: {  	_ =	swait.ge [sflag:s10], $0x2760  }
0x1c: {  	[sflag:s10] =	ssyncset.done $0x0  }
0x1d: {  	[sflag:s10] =	ssyncadd.s32 $0xFFFFD8A0  }
0x1e: {  	[tilespmem:s11], [sflag:$0x5] =	stream.linear.gather [hbm4b:s7+s4], $0x2760, $0x38;
	[tilespmem:$0x116C0] =	vst v63  }
0x1f: {  	_ =	swait.ge [sflag:s10], $0x2760  }
0x20: {  	[sflag:s10] =	ssyncset.done $0x0  }
0x21: {  	[sflag:s10] =	ssyncadd.s32 $0xFFFFD8A0  }
0x22: {  	[spmem:s13], [sflag:s12] =	dma.local [hbm:s5], $0x1400  }
0x23: {  	_ =	swait.ge [sflag:s10], $0x1400  }
0x24: {  	[sflag:s10] =	ssyncset.done $0x0  }
0x25: {  	[sflag:s10] =	ssyncadd.s32 $0xFFFFEC00  }
0x26: {  	[bflag:$0x0] =	sbarrier.arrive $0xFFFF  }
0x27: {  	[tilespmem:s15], [sflag:$0x1] =	stream.indirect.gather [hbm4b:s1+s14], $0x40, s4, s14, $0xb8;
	[tilespmem:$0x116C0] =	vst v63  }
0x28: {  	_ =	swait.ge [sflag:s16], $0x1400  }
0x29: {  	[sflag:s16] =	ssyncset.done $0x0  }
0x2a: {  	[sflag:s16] =	ssyncadd.s32 $0xFFFFEC00  }
0x2b: {  	[spmem:s3] =	stream.indirect.scatter.add.bf16 [tilespmem:s15], [sflag:$0x3], $0x40, s11, s14, $0xb8;
	[tilespmem:$0x116C0] =	vst v63  }
0x2c: {  	_ = 	snop  }
0x2d: {  	[tilespmem:s17], [sflag:$0x2] =	stream.indirect.gather [hbm4b:s1+s14], $0x40, s14, s14, $0xb8;
	[tilespmem:$0x116C0] =	vst v63  }
0x2e: {  	_ =	swait.ge [sflag:s18], $0x1400  }
0x2f: {  	[sflag:s18] =	ssyncset.done $0x0  }
0x30: {  	[sflag:s18] =	ssyncadd.s32 $0xFFFFEC00  }
0x31: {  	[spmem:s3] =	stream.indirect.scatter.add.bf16 [tilespmem:s17], [sflag:$0x4], $0x40, s19, s14, $0xb8;
	[tilespmem:$0x116C0] =	vst v63  }
0x32: {  	_ =	swait.ge [sflag:s20], $0x1400  }
0x33: {  	[sflag:s20] =	ssyncset.done $0x0  }
0x34: {  	s24 =	simm.s32 $0xFFFF6780;
	[sflag:s20] =	ssyncadd.s32 $0xFFFFEC00  }
0x35: {  	[tilespmem:s15], [sflag:$0x1] =	stream.indirect.gather [hbm4b:s1+s14], $0x40, s21, s14, $0xb8;
	[tilespmem:$0x116C0] =	vst v63  }
.LBB2_2:
0x36: {  	_ =	swait.ge [sflag:s16], $0x1400  }
0x37: {  	s25 =	sshra.s32 s24, $0x2;
	[sflag:s16] =	ssyncset.done $0x0  }
0x38: {  	s26 =	sadd.s32 $0x4E20, s25;
	[sflag:s16] =	ssyncadd.s32 $0xFFFFEC00  }
0x39: {  	[spmem:s3] =	stream.indirect.scatter.add.bf16 [tilespmem:s15], [sflag:$0x3], $0x40, s26, s14, $0xb8;
	[tilespmem:$0x116C0] =	vst v63  }
0x3a: {  	_ =	swait.ge [sflag:s22], $0x1400  }
0x3b: {  	[sflag:s22] =	ssyncset.done $0x0  }
0x3c: {  	s30 =	sadd.s32 $0x2710, s25;
	[sflag:s22] =	ssyncadd.s32 $0xFFFFEC00  }
0x3d: {  	[tilespmem:s17], [sflag:$0x2] =	stream.indirect.gather [hbm4b:s1+s14], $0x40, s30, s14, $0xb8;
	[tilespmem:$0x116C0] =	vst v63  }
0x3e: {  	_ =	swait.ge [sflag:s18], $0x1400  }
0x3f: {  	p0 =	seq.s32 s24, $0x0;
	[sflag:s18] =	ssyncset.done $0x0  }
.Ltmp2:
0x40: {  	s31 =	sadd.s32 $0x4E70, s25;
	[sflag:s18] =	ssyncadd.s32 $0xFFFFEC00;
	(pc) =	sbr.rel @p0 .LBB2_4-.Ltmp2, $4  }
0x41: {  	[spmem:s3] =	stream.indirect.scatter.add.bf16 [tilespmem:s17], [sflag:$0x4], $0x40, s31, s14, $0xb8;
	[tilespmem:$0x116C0] =	vst v63  }
0x42: {  	_ =	swait.ge [sflag:s20], $0x1400  }
0x43: {  	[sflag:s20] =	ssyncset.done $0x0  }
0x44: {  	[sflag:s20] =	ssyncadd.s32 $0xFFFFEC00  }
.Ltmp3:
0x45: {  	(pc) =	sbr.rel .LBB2_2-.Ltmp3, $3  }
0x46: {  	_ =	sdelay $0x1  }
0x47: {  	s25 =	sadd.s32 $0x2760, s25;
	s24 =	sadd.s32 $0x280, s24  }
0x48: {  	[tilespmem:s15], [sflag:$0x1] =	stream.indirect.gather [hbm4b:s1+s14], $0x40, s25, s14, $0xb8;
	[tilespmem:$0x116C0] =	vst v63  }
.LBB2_5:
0x49: {  	_ =	sfence.sel $0x180000  }
0x4a: {  	[bflag:$0x0] =	sbarrier.arrive $0xFFFF  }
0x4b: {  	p0 =	sne.s32 s0, $0x0;
	_ =	strace $0x90000050  }
0x4c: {  	s0 =	sadd.s32 @!p0 $0x100000, s2;
	[bflag:$0x2] =	sbarrier.arrive $0xFFFF  }
0x4d: {  	[sflag:s0] =	ssyncadd.tile.s32 @!p0 $0x1;
	_ =	shalt  }
.Lfunc_end2:
_tile_overlayer_lowered:
.L_overlay_start_2:
0x4e: {  	(tag) =	ssettag $0x2  }
0x4f: {  	s0 =	rddreg [dreg:$0x0];
	s2 =	stileid.u32  }
0x50: {  	s1 =	rddreg [dreg:$0x1];
	p0 =	sne.s32 s2, $0x0  }
0x51: {  	s3 =	rddreg [dreg:$0x2];
	[bflag:$0x3] =	sbarrier.arrive $0xFFFF;
	s2 =	simm.s32 @!p0 $0x1C05  }
0x52: {  	[timem:s3], [sflag:s2] =	dma.local @!p0 [hbm:s0], s1  }
0x53: {  	s0 =	simm.s32 @!p0 $0x5  }
0x54: {  	_ =	swait.ge @!p0 [sflag:s0], s1  }
0x55: {  	s1 =	ssub.s32 @!p0 $0x0, s1;
	[sflag:s0] =	ssyncset.done @!p0 $0x0  }
0x56: {  	[sflag:s0] =	ssyncadd.s32 @!p0 s1  }
0x57: {  	[bflag:$0x3] =	sbarrier.arrive $0xFFFF  }
0x58: {  	_ =	shalt  }

</sc_bundles>
